<compile_context>
chip_gen: v7x
topology: tpu7x:2x2x1
jax: 0.10.2.dev20260603
libtpu: 0.0.44.dev20260713+nightly
codegen_flags: <defaults>
</compile_context>

<pallas_src>
import jax
import jax.numpy as jnp
from jax.experimental import pallas as pl
from jax.experimental.pallas import tpu as pltpu
from jax.experimental.pallas import tpu_sc as plsc

D = 1024
BLK_R = 8


def _sc_full(lvl, level_embeddings, band_embeddings, x2):
    mesh = plsc.VectorSubcoreMesh(core_axis_name="c", subcore_axis_name="s")

    @pl.kernel(
        out_type=jax.ShapeDtypeStruct(x2.shape, x2.dtype),
        mesh=mesh,
        scratch_types=[
            pltpu.VMEM((1, D), jnp.float32),
            pltpu.VMEM((1, D), jnp.float32),
            pltpu.VMEM((1, 1), jnp.int32),
        ],
    )
    def full_kernel(lvl_hbm, lev_hbm, band_hbm, x_hbm, o_hbm, bias_v, tmp_v, i_v):
        pltpu.sync_copy(lvl_hbm, i_v)
        pltpu.sync_copy(lev_hbm.at[i_v.at[0]], bias_v)
        pltpu.sync_copy(band_hbm.at[pl.ds(0, 1)], tmp_v)

        @pl.loop(0, D, step=16)
        def _(k):
            slc = (pl.ds(0, 1), pl.ds(k, 16))
            bias_v.at[*slc][...] = bias_v.at[*slc][...] + tmp_v.at[*slc][...]

        def body(in_v, out_v):
            @pl.loop(0, BLK_R)
            def _(r):
                @pl.loop(0, D, step=16)
                def _(c):
                    src = (pl.ds(r, 1), pl.ds(c, 16))
                    out_v.at[*src][...] = (
                        in_v.at[*src][...] + bias_v.at[pl.ds(0, 1), pl.ds(c, 16)][...]
                    )

        pltpu.emit_pipeline(
            body,
            grid=(x2.shape[0] // BLK_R,),
            in_specs=[pl.BlockSpec((BLK_R, D), index_map=lambda i: (i, 0))],
            out_specs=[pl.BlockSpec((BLK_R, D), index_map=lambda i: (i, 0))],
            core_axis_name=("c", "s"),
            dimension_semantics=(pltpu.PARALLEL,),
        )(x_hbm, o_hbm)

    return full_kernel(lvl, level_embeddings, band_embeddings, x2)


def kernel(x, level, level_embeddings, band_embeddings):
    b, s, d = x.shape
    rows = b * s
    x2 = x.reshape(rows, d)
    lvl = jnp.reshape(jnp.asarray(level, dtype=jnp.int32), (1, 1))
    out = _sc_full(lvl, level_embeddings, band_embeddings, x2)
    return out.reshape(b, s, d)

# --- scband reference (transcript-rebuilt; emitter-appended) ---
"""Pipeline reference for scband-wavelet-scale-embedding-62569083568801 (READ-ONLY COPY).

The authoritative reference and input builder live on the scoring server;
editing this copy changes nothing except your own understanding.
"""

import jax, jax.numpy as jnp
import numpy as np

D_MODEL = 1024
MAX_LEVEL = 10
BAND_TYPE = 'A'  # fixed; torch forward takes band_type: str in {'A','D'}


def setup_inputs(seed: int = 0) -> dict:
    key = jax.random.key(seed)
    k1, k2, k3 = jax.random.split(key, 3)
    x = jax.random.normal(k1, (4, 8192, D_MODEL), dtype=jnp.float32)
    level = 3  # python int scalar, 1 <= level <= MAX_LEVEL
    level_embeddings = 0.02 * jax.random.normal(k2, (MAX_LEVEL + 1, D_MODEL), dtype=jnp.float32)
    band_embeddings = 0.02 * jax.random.normal(k3, (2, D_MODEL), dtype=jnp.float32)
    return {"x": x, "level": level, "level_embeddings": level_embeddings, "band_embeddings": band_embeddings}


def reference(x, level, level_embeddings, band_embeddings):
    band_idx = 0 if BAND_TYPE == 'A' else 1
    level_idx = jnp.array([level], dtype=jnp.int32)
    band_ix = jnp.array([band_idx], dtype=jnp.int32)
    E_level = jnp.take(level_embeddings, level_idx, axis=0)  # [1, d_model]
    E_band = jnp.take(band_embeddings, band_ix, axis=0)      # [1, d_model]
    if x.ndim == 3:
        E_level = E_level[:, None, :]  # [1, 1, d_model]
        E_band = E_band[:, None, :]
    return x + E_level + E_band

if __name__ == "__main__":
    import jax
    _d = setup_inputs()
    print(jax.jit(kernel)(*tuple(_d.values())))

</pallas_src>

<mosaic_0001>
#map = affine_map<(d0, d1) -> (0, 0)>
module attributes {stable_mosaic.version = 14 : i64} {
  func.func @full_kernel(%arg0: i32, %arg1: i32, %arg2: memref<1x1xi32, #tpu.memory_space<hbm>>, %arg3: memref<11x1024xf32, #tpu.memory_space<hbm>>, %arg4: memref<2x1024xf32, #tpu.memory_space<hbm>>, %arg5: memref<32768x1024xf32, #tpu.memory_space<hbm>>, %arg6: memref<32768x1024xf32, #tpu.memory_space<hbm>>, %arg7: memref<1x1024xf32, #tpu.memory_space<vmem>>, %arg8: memref<1x1024xf32, #tpu.memory_space<vmem>>, %arg9: memref<1x1xi32, #tpu.memory_space<vmem>>) attributes {dimension_semantics = [#tpu.dimension_semantics<core_parallel>, #tpu.dimension_semantics<subcore_parallel>], iteration_bounds = array<i64: 2, 16>, scalar_prefetch = 0 : i64, scratch_operands = 3 : i64, tpu.core_type = #tpu.core_type<sc_vector_subcore>, window_params = [{transform_indices = #map}, {transform_indices = #map}, {transform_indices = #map}, {transform_indices = #map}, {transform_indices = #map}]} {
    "tpu.region"() ({
      %run_scoped3A_11 = tpu.sem_alloc : memref<!tpu.dma_semaphore, #tpu.memory_space<semaphore_mem>>
      tpu.enqueue_dma source(%arg2 : memref<1x1xi32, #tpu.memory_space<hbm>>) target(%arg9 : memref<1x1xi32, #tpu.memory_space<vmem>>) target_semaphore(%run_scoped3A_11 : memref<!tpu.dma_semaphore, #tpu.memory_space<semaphore_mem>>)
      tpu.wait_dma2 semaphore(%run_scoped3A_11 : memref<!tpu.dma_semaphore, #tpu.memory_space<semaphore_mem>>) src(%arg2 : memref<1x1xi32, #tpu.memory_space<hbm>>) dst(%arg9 : memref<1x1xi32, #tpu.memory_space<vmem>>)
      tpu.yield
    }) : () -> ()
    %run_scoped3A = arith.constant 0 : i32
    "tpu.region"() ({
      %run_scoped3A_11 = tpu.sem_alloc : memref<!tpu.dma_semaphore, #tpu.memory_space<semaphore_mem>>
      %dma_start3A = arith.constant 0 : i32
      %dma_start3A_12 = tpu.memref_slice %arg9[%run_scoped3A, %dma_start3A] : memref<1x1xi32, #tpu.memory_space<vmem>> -> memref<1x1xi32, #tpu.memory_space<vmem>>
      %dma_start3A_13 = tpu.memref_squeeze %dma_start3A_12 : memref<1x1xi32, #tpu.memory_space<vmem>> -> memref<1xi32, #tpu.memory_space<vmem>>
      %dma_start3A_14 = arith.constant 0 : i32
      %dma_start3A_15 = arith.constant 0 : i32
      %dma_start3A_16 = tpu.memref_slice %arg3[%dma_start3A_14, %dma_start3A_15] : memref<11x1024xf32, #tpu.memory_space<hbm>> -> memref<11x1024xf32, #tpu.memory_space<hbm>>
      tpu.enqueue_indirect_dma source(%dma_start3A_16 : memref<11x1024xf32, #tpu.memory_space<hbm>>) target(%arg7 : memref<1x1024xf32, #tpu.memory_space<vmem>>) offsets(%dma_start3A_13 : memref<1xi32, #tpu.memory_space<vmem>>) semaphore(%run_scoped3A_11 : memref<!tpu.dma_semaphore, #tpu.memory_space<semaphore_mem>>)
      %dma_wait3A = arith.constant 0 : i32
      %dma_wait3A_17 = tpu.memref_slice %arg9[%run_scoped3A, %dma_wait3A] : memref<1x1xi32, #tpu.memory_space<vmem>> -> memref<1x1xi32, #tpu.memory_space<vmem>>
      %dma_wait3A_18 = tpu.memref_squeeze %dma_wait3A_17 : memref<1x1xi32, #tpu.memory_space<vmem>> -> memref<1xi32, #tpu.memory_space<vmem>>
      %dma_wait3A_19 = arith.constant 0 : i32
      %dma_wait3A_20 = arith.constant 0 : i32
      %dma_wait3A_21 = tpu.memref_slice %arg3[%dma_wait3A_19, %dma_wait3A_20] : memref<11x1024xf32, #tpu.memory_space<hbm>> -> memref<11x1024xf32, #tpu.memory_space<hbm>>
      tpu.wait_indirect_dma semaphore(%run_scoped3A_11 : memref<!tpu.dma_semaphore, #tpu.memory_space<semaphore_mem>>) src(%dma_wait3A_21 : memref<11x1024xf32, #tpu.memory_space<hbm>>) dst(%arg7 : memref<1x1024xf32, #tpu.memory_space<vmem>>)
      tpu.yield
    }) : () -> ()
    "tpu.region"() ({
      %run_scoped3A_11 = tpu.sem_alloc : memref<!tpu.dma_semaphore, #tpu.memory_space<semaphore_mem>>
      %dma_start3A = arith.constant 0 : i32
      %dma_start3A_12 = arith.constant 0 : i32
      %dma_start3A_13 = tpu.memref_slice %arg4[%dma_start3A, %dma_start3A_12] : memref<2x1024xf32, #tpu.memory_space<hbm>> -> memref<1x1024xf32, #tpu.memory_space<hbm>>
      %dma_start3A_14 = arith.constant 0 : i32
      %dma_start3A_15 = arith.constant 0 : i32
      %dma_start3A_16 = tpu.memref_slice %arg4[%dma_start3A_14, %dma_start3A_15] : memref<2x1024xf32, #tpu.memory_space<hbm>> -> memref<1x1024xf32, #tpu.memory_space<hbm>>
      tpu.enqueue_dma source(%dma_start3A_16 : memref<1x1024xf32, #tpu.memory_space<hbm>>) target(%arg8 : memref<1x1024xf32, #tpu.memory_space<vmem>>) target_semaphore(%run_scoped3A_11 : memref<!tpu.dma_semaphore, #tpu.memory_space<semaphore_mem>>)
      %dma_wait3A = arith.constant 0 : i32
      %dma_wait3A_17 = arith.constant 0 : i32
      %dma_wait3A_18 = tpu.memref_slice %arg4[%dma_wait3A, %dma_wait3A_17] : memref<2x1024xf32, #tpu.memory_space<hbm>> -> memref<1x1024xf32, #tpu.memory_space<hbm>>
      %dma_wait3A_19 = arith.constant 0 : i32
      %dma_wait3A_20 = arith.constant 0 : i32
      %dma_wait3A_21 = tpu.memref_slice %arg4[%dma_wait3A_19, %dma_wait3A_20] : memref<2x1024xf32, #tpu.memory_space<hbm>> -> memref<1x1024xf32, #tpu.memory_space<hbm>>
      tpu.wait_dma2 semaphore(%run_scoped3A_11 : memref<!tpu.dma_semaphore, #tpu.memory_space<semaphore_mem>>) src(%dma_wait3A_21 : memref<1x1024xf32, #tpu.memory_space<hbm>>) dst(%arg8 : memref<1x1024xf32, #tpu.memory_space<vmem>>)
      tpu.yield
    }) : () -> ()
    %scan3A = arith.constant 0 : i32
    %scan3A_0 = arith.constant 64 : i32
    %scan3A_1 = arith.addi %scan3A, %scan3A_0 : i32
    %scan3A_2 = arith.constant 1 : i32
    scf.for %scan3A_11 = %scan3A to %scan3A_1 step %scan3A_2  : i32 {
      %mul3A_12 = arith.constant 16 : i32
      %mul3A_13 = arith.muli %scan3A_11, %mul3A_12 : i32
      %add3A_14 = arith.constant 0 : i32
      %add3A_15 = arith.addi %add3A_14, %mul3A_13 : i32
      %get3A = arith.constant 0 : index
      %get3A_16 = arith.index_cast %add3A_15 : i32 to index
      %get3A_17 = tpu.vector_load %arg7[%get3A, %get3A_16] {strides = array<i32>} : memref<1x1024xf32, #tpu.memory_space<vmem>>, vector<1x16xf32>,
      %get3A_18 = vector.shape_cast %get3A_17 : vector<1x16xf32> to vector<1x16xf32>
      %get3A_19 = arith.constant 0 : index
      %get3A_20 = arith.index_cast %add3A_15 : i32 to index
      %get3A_21 = tpu.vector_load %arg8[%get3A_19, %get3A_20] {strides = array<i32>} : memref<1x1024xf32, #tpu.memory_space<vmem>>, vector<1x16xf32>,
      %get3A_22 = vector.shape_cast %get3A_21 : vector<1x16xf32> to vector<1x16xf32>
      %add3A_23 = arith.addf %get3A_18, %get3A_22 : vector<1x16xf32>
      %swap3A = arith.constant 0 : index
      %swap3A_24 = arith.index_cast %add3A_15 : i32 to index
      %swap3A_25 = tpu.vector_load %arg7[%swap3A, %swap3A_24] {strides = array<i32>} : memref<1x1024xf32, #tpu.memory_space<vmem>>, vector<1x16xf32>,
      %swap3A_26 = vector.shape_cast %swap3A_25 : vector<1x16xf32> to vector<1x16xf32>
      %swap3A_27 = vector.shape_cast %add3A_23 : vector<1x16xf32> to vector<1x16xf32>
      tpu.vector_store %arg7[%swap3A, %swap3A_24], %swap3A_27 {strides = array<i32>} : memref<1x1024xf32, #tpu.memory_space<vmem>>, vector<1x16xf32>,
    }
    %scan3A_3 = arith.constant 64 : i32
    %mul3A = arith.constant 1 : i32
    %mul3A_4 = arith.muli %arg1, %mul3A : i32
    %add3A = arith.constant 0 : i32
    %add3A_5 = arith.addi %add3A, %mul3A_4 : i32
    %mul3A_6 = arith.constant 16 : i32
    %mul3A_7 = arith.muli %arg0, %mul3A_6 : i32
    %add3A_8 = arith.addi %add3A_5, %mul3A_7 : i32
    %mul3A_9 = arith.constant 128 : i32
    %mul3A_10 = arith.muli %add3A_8, %mul3A_9 : i32
    "tpu.region"() ({
      %run_scoped3A_11 = memref.alloca() : memref<2x8x1024xf32, #tpu.memory_space<vmem>>
      %run_scoped3A_12 = tpu.sem_alloc : memref<2x!tpu.dma_semaphore, #tpu.memory_space<semaphore_mem>>
      %run_scoped3A_13 = memref.alloca() : memref<2x8x1024xf32, #tpu.memory_space<vmem>>
      %run_scoped3A_14 = tpu.sem_alloc : memref<2x!tpu.dma_semaphore, #tpu.memory_space<semaphore_mem>>
      %add3A_15 = arith.constant 0 : i32
      %add3A_16 = arith.addi %add3A_15, %mul3A_10 : i32
      %select_n3A = arith.constant true
      %select_n3A_17 = arith.constant 0 : i32
      %select_n3A_18 = arith.constant -1 : i32
      %select_n3A_19 = arith.select %select_n3A, %select_n3A_18, %select_n3A_17 : i32
      %eq3A = arith.constant -1 : i32
      %eq3A_20 = arith.cmpi eq, %select_n3A_19, %eq3A : i32
      %select_n3A_21 = arith.constant 127 : i32
      %select_n3A_22 = arith.select %eq3A_20, %select_n3A_21, %select_n3A_19 : i32
      %add3A_23 = arith.addi %select_n3A_22, %mul3A_10 : i32
      %select_n3A_24 = arith.constant true
      %select_n3A_25 = arith.constant 0 : i32
      %select_n3A_26 = arith.constant 1 : i32
      %select_n3A_27 = arith.select %select_n3A_24, %select_n3A_26, %select_n3A_25 : i32
      %eq3A_28 = arith.constant 128 : i32
      %eq3A_29 = arith.cmpi eq, %select_n3A_27, %eq3A_28 : i32
      %select_n3A_30 = arith.constant 0 : i32
      %select_n3A_31 = arith.select %eq3A_29, %select_n3A_30, %select_n3A_27 : i32
      %add3A_32 = arith.addi %select_n3A_31, %mul3A_10 : i32
      %add3A_33 = arith.constant 1 : i32
      %add3A_34 = arith.addi %select_n3A_31, %add3A_33 : i32
      %select_n3A_35 = arith.constant true
      %select_n3A_36 = arith.select %select_n3A_35, %add3A_34, %select_n3A_31 : i32
      %eq3A_37 = arith.constant 128 : i32
      %eq3A_38 = arith.cmpi eq, %select_n3A_36, %eq3A_37 : i32
      %select_n3A_39 = arith.constant 0 : i32
      %select_n3A_40 = arith.select %eq3A_38, %select_n3A_39, %select_n3A_36 : i32
      %add3A_41 = arith.addi %select_n3A_40, %mul3A_10 : i32
      "tpu.trace_start"() <{level = 10 : i32, message = "ep_initialize_0"}> : () -> ()
      %rem3A = arith.constant 0 : i32
      %rem3A_42 = arith.constant 2 : i32
      %rem3A_43 = arith.remui %rem3A, %rem3A_42 : i32
      %mul3A_44 = arith.constant 8 : i32
      %mul3A_45 = arith.muli %mul3A_44, %add3A_16 : i32
      %dma_start3A = arith.constant 0 : i32
      %dma_start3A_46 = arith.constant 0 : i32
      %dma_start3A_47 = tpu.memref_slice %run_scoped3A_11[%rem3A_43, %dma_start3A, %dma_start3A_46] : memref<2x8x1024xf32, #tpu.memory_space<vmem>> -> memref<1x8x1024xf32, #tpu.memory_space<vmem>>
      %dma_start3A_48 = tpu.memref_squeeze %dma_start3A_47 : memref<1x8x1024xf32, #tpu.memory_space<vmem>> -> memref<8x1024xf32, #tpu.memory_space<vmem>>
      %dma_start3A_49 = arith.constant 0 : i32
      %dma_start3A_50 = tpu.memref_slice %arg5[%mul3A_45, %dma_start3A_49] : memref<32768x1024xf32, #tpu.memory_space<hbm>> -> memref<8x1024xf32, #tpu.memory_space<hbm>>
      %dma_start3A_51 = tpu.memref_slice %run_scoped3A_12[%rem3A_43] : memref<2x!tpu.dma_semaphore, #tpu.memory_space<semaphore_mem>> -> memref<1x!tpu.dma_semaphore, #tpu.memory_space<semaphore_mem>>
      %dma_start3A_52 = tpu.memref_squeeze %dma_start3A_51 : memref<1x!tpu.dma_semaphore, #tpu.memory_space<semaphore_mem>> -> memref<!tpu.dma_semaphore, #tpu.memory_space<semaphore_mem>>
      %dma_start3A_53 = arith.constant 0 : i32
      %dma_start3A_54 = arith.constant 0 : i32
      %dma_start3A_55 = tpu.memref_slice %run_scoped3A_11[%rem3A_43, %dma_start3A_53, %dma_start3A_54] : memref<2x8x1024xf32, #tpu.memory_space<vmem>> -> memref<1x8x1024xf32, #tpu.memory_space<vmem>>
      %dma_start3A_56 = tpu.memref_squeeze %dma_start3A_55 : memref<1x8x1024xf32, #tpu.memory_space<vmem>> -> memref<8x1024xf32, #tpu.memory_space<vmem>>
      %dma_start3A_57 = arith.constant 0 : i32
      %dma_start3A_58 = tpu.memref_slice %arg5[%mul3A_45, %dma_start3A_57] : memref<32768x1024xf32, #tpu.memory_space<hbm>> -> memref<8x1024xf32, #tpu.memory_space<hbm>>
      tpu.enqueue_dma source(%dma_start3A_58 : memref<8x1024xf32, #tpu.memory_space<hbm>>) target(%dma_start3A_56 : memref<8x1024xf32, #tpu.memory_space<vmem>>) target_semaphore(%dma_start3A_52 : memref<!tpu.dma_semaphore, #tpu.memory_space<semaphore_mem>>)
      %add3A_59 = arith.constant 0 : i32
      %add3A_60 = arith.constant 1 : i32
      %add3A_61 = arith.addi %add3A_59, %add3A_60 : i32
      %select_n3A_62 = arith.constant true
      %select_n3A_63 = arith.constant 0 : i32
      %select_n3A_64 = arith.select %select_n3A_62, %add3A_61, %select_n3A_63 : i32
      "tpu.trace_stop"() : () -> ()
      %scan3A_65 = arith.constant 0 : i32
      %scan3A_66 = arith.constant 0 : i32
      %scan3A_67 = arith.constant 0 : i32
      %scan3A_68 = arith.constant 0 : i32
      %scan3A_69 = arith.constant 0 : i32
      %scan3A_70 = arith.constant 128 : i32
      %scan3A_71 = arith.addi %scan3A_69, %scan3A_70 : i32
      %scan3A_72 = arith.constant 1 : i32
      %scan3A_73:5 = scf.for %scan3A_127 = %scan3A_69 to %scan3A_71 step %scan3A_72 iter_args(%scan3A_128 = %select_n3A_64, %scan3A_129 = %scan3A_65, %scan3A_130 = %scan3A_66, %scan3A_131 = %scan3A_67, %scan3A_132 = %scan3A_68) -> (i32, i32, i32, i32, i32)  : i32 {
        %eq3A_133 = arith.constant 0 : i32
        %eq3A_134 = arith.cmpi eq, %scan3A_127, %eq3A_133 : i32
        %eq3A_135 = arith.constant 127 : i32
        %eq3A_136 = arith.cmpi eq, %scan3A_127, %eq3A_135 : i32
        %add3A_137 = arith.addi %scan3A_132, %mul3A_10 : i32
        %sub3A_138 = arith.constant 1 : i32
        %sub3A_139 = arith.subi %scan3A_132, %sub3A_138 : i32
        %select_n3A_140 = arith.constant true
        %select_n3A_141 = arith.select %select_n3A_140, %sub3A_139, %scan3A_132 : i32
        %eq3A_142 = arith.constant -1 : i32
        %eq3A_143 = arith.cmpi eq, %select_n3A_141, %eq3A_142 : i32
        %select_n3A_144 = arith.constant 127 : i32
        %select_n3A_145 = arith.select %eq3A_143, %select_n3A_144, %select_n3A_141 : i32
        %add3A_146 = arith.addi %select_n3A_145, %mul3A_10 : i32
        %add3A_147 = arith.constant 1 : i32
        %add3A_148 = arith.addi %scan3A_132, %add3A_147 : i32
        %select_n3A_149 = arith.constant true
        %select_n3A_150 = arith.select %select_n3A_149, %add3A_148, %scan3A_132 : i32
        %eq3A_151 = arith.constant 128 : i32
        %eq3A_152 = arith.cmpi eq, %select_n3A_150, %eq3A_151 : i32
        %select_n3A_153 = arith.constant 0 : i32
        %select_n3A_154 = arith.select %eq3A_152, %select_n3A_153, %select_n3A_150 : i32
        %add3A_155 = arith.addi %select_n3A_154, %mul3A_10 : i32
        %add3A_156 = arith.constant 1 : i32
        %add3A_157 = arith.addi %select_n3A_154, %add3A_156 : i32
        %select_n3A_158 = arith.constant true
        %select_n3A_159 = arith.select %select_n3A_158, %add3A_157, %select_n3A_154 : i32
        %eq3A_160 = arith.constant 128 : i32
        %eq3A_161 = arith.cmpi eq, %select_n3A_159, %eq3A_160 : i32
        %select_n3A_162 = arith.constant 0 : i32
        %select_n3A_163 = arith.select %eq3A_161, %select_n3A_162, %select_n3A_159 : i32
        %add3A_164 = arith.addi %select_n3A_163, %mul3A_10 : i32
        %ne3A = arith.cmpi ne, %add3A_137, %add3A_155 : i32
        %or3A = arith.constant false
        %or3A_165 = arith.ori %or3A, %ne3A : i1
        %or3A_166 = arith.constant false
        %or3A_167 = arith.ori %or3A_165, %or3A_166 : i1
        %ge3A = arith.constant 127 : i32
        %ge3A_168 = arith.cmpi sge, %scan3A_127, %ge3A : i32
        %not3A = arith.constant true
        %not3A_169 = arith.xori %ge3A_168, %not3A : i1
        %and3A = arith.andi %or3A_167, %not3A_169 : i1
        %convert_element_type3A = arith.extui %and3A : i1 to i32
        %cond3A = arith.constant 0 : i32
        %cond3A_170 = arith.cmpi ne, %convert_element_type3A, %cond3A : i32
        scf.if %cond3A_170 {
          "tpu.trace_start"() <{level = 10 : i32, message = "ep_copy_in"}> : () -> ()
          %rem3A_284 = arith.constant 2 : i32
          %rem3A_285 = arith.remui %scan3A_128, %rem3A_284 : i32
          %mul3A_286 = arith.constant 8 : i32
          %mul3A_287 = arith.muli %mul3A_286, %add3A_155 : i32
          %dma_start3A_288 = arith.constant 0 : i32
          %dma_start3A_289 = arith.constant 0 : i32
          %dma_start3A_290 = tpu.memref_slice %run_scoped3A_11[%rem3A_285, %dma_start3A_288, %dma_start3A_289] : memref<2x8x1024xf32, #tpu.memory_space<vmem>> -> memref<1x8x1024xf32, #tpu.memory_space<vmem>>
          %dma_start3A_291 = tpu.memref_squeeze %dma_start3A_290 : memref<1x8x1024xf32, #tpu.memory_space<vmem>> -> memref<8x1024xf32, #tpu.memory_space<vmem>>
          %dma_start3A_292 = arith.constant 0 : i32
          %dma_start3A_293 = tpu.memref_slice %arg5[%mul3A_287, %dma_start3A_292] : memref<32768x1024xf32, #tpu.memory_space<hbm>> -> memref<8x1024xf32, #tpu.memory_space<hbm>>
          %dma_start3A_294 = tpu.memref_slice %run_scoped3A_12[%rem3A_285] : memref<2x!tpu.dma_semaphore, #tpu.memory_space<semaphore_mem>> -> memref<1x!tpu.dma_semaphore, #tpu.memory_space<semaphore_mem>>
          %dma_start3A_295 = tpu.memref_squeeze %dma_start3A_294 : memref<1x!tpu.dma_semaphore, #tpu.memory_space<semaphore_mem>> -> memref<!tpu.dma_semaphore, #tpu.memory_space<semaphore_mem>>
          %dma_start3A_296 = arith.constant 0 : i32
          %dma_start3A_297 = arith.constant 0 : i32
          %dma_start3A_298 = tpu.memref_slice %run_scoped3A_11[%rem3A_285, %dma_start3A_296, %dma_start3A_297] : memref<2x8x1024xf32, #tpu.memory_space<vmem>> -> memref<1x8x1024xf32, #tpu.memory_space<vmem>>
          %dma_start3A_299 = tpu.memref_squeeze %dma_start3A_298 : memref<1x8x1024xf32, #tpu.memory_space<vmem>> -> memref<8x1024xf32, #tpu.memory_space<vmem>>
          %dma_start3A_300 = arith.constant 0 : i32
          %dma_start3A_301 = tpu.memref_slice %arg5[%mul3A_287, %dma_start3A_300] : memref<32768x1024xf32, #tpu.memory_space<hbm>> -> memref<8x1024xf32, #tpu.memory_space<hbm>>
          tpu.enqueue_dma source(%dma_start3A_301 : memref<8x1024xf32, #tpu.memory_space<hbm>>) target(%dma_start3A_299 : memref<8x1024xf32, #tpu.memory_space<vmem>>) target_semaphore(%dma_start3A_295 : memref<!tpu.dma_semaphore, #tpu.memory_space<semaphore_mem>>)
          "tpu.trace_stop"() : () -> ()
        } else {
        }
        %and3A_171 = arith.constant true
        %and3A_172 = arith.andi %and3A, %and3A_171 : i1
        %add3A_173 = arith.constant 1 : i32
        %add3A_174 = arith.addi %scan3A_128, %add3A_173 : i32
        %select_n3A_175 = arith.select %and3A_172, %add3A_174, %scan3A_128 : i32
        %ne3A_176 = arith.cmpi ne, %add3A_137, %add3A_155 : i32
        %or3A_177 = arith.constant false
        %or3A_178 = arith.ori %or3A_177, %ne3A_176 : i1
        %or3A_179 = arith.constant false
        %or3A_180 = arith.ori %or3A_178, %or3A_179 : i1
        %ge3A_181 = arith.constant 127 : i32
        %ge3A_182 = arith.cmpi sge, %scan3A_127, %ge3A_181 : i32
        %not3A_183 = arith.constant true
        %not3A_184 = arith.xori %ge3A_182, %not3A_183 : i1
        %and3A_185 = arith.andi %or3A_180, %not3A_184 : i1
        %ne3A_186 = arith.cmpi ne, %add3A_137, %add3A_146 : i32
        %or3A_187 = arith.constant false
        %or3A_188 = arith.ori %or3A_187, %ne3A_186 : i1
        %or3A_189 = arith.constant false
        %or3A_190 = arith.ori %or3A_188, %or3A_189 : i1
        %or3A_191 = arith.ori %or3A_190, %eq3A_134 : i1
        %convert_element_type3A_192 = arith.extui %or3A_191 : i1 to i32
        %cond3A_193 = arith.constant 0 : i32
        %cond3A_194 = arith.cmpi ne, %convert_element_type3A_192, %cond3A_193 : i32
        scf.if %cond3A_194 {
          "tpu.trace_start"() <{level = 10 : i32, message = "ep_wait_in"}> : () -> ()
          %mul3A_284 = arith.constant 8 : i32
          %mul3A_285 = arith.muli %mul3A_284, %add3A_137 : i32
          %rem3A_286 = arith.constant 2 : i32
          %rem3A_287 = arith.remui %scan3A_129, %rem3A_286 : i32
          %dma_wait3A_288 = arith.constant 0 : i32
          %dma_wait3A_289 = arith.constant 0 : i32
          %dma_wait3A_290 = tpu.memref_slice %run_scoped3A_11[%rem3A_287, %dma_wait3A_288, %dma_wait3A_289] : memref<2x8x1024xf32, #tpu.memory_space<vmem>> -> memref<1x8x1024xf32, #tpu.memory_space<vmem>>
          %dma_wait3A_291 = tpu.memref_squeeze %dma_wait3A_290 : memref<1x8x1024xf32, #tpu.memory_space<vmem>> -> memref<8x1024xf32, #tpu.memory_space<vmem>>
          %dma_wait3A_292 = arith.constant 0 : i32
          %dma_wait3A_293 = tpu.memref_slice %arg5[%mul3A_285, %dma_wait3A_292] : memref<32768x1024xf32, #tpu.memory_space<hbm>> -> memref<8x1024xf32, #tpu.memory_space<hbm>>
          %dma_wait3A_294 = tpu.memref_slice %run_scoped3A_12[%rem3A_287] : memref<2x!tpu.dma_semaphore, #tpu.memory_space<semaphore_mem>> -> memref<1x!tpu.dma_semaphore, #tpu.memory_space<semaphore_mem>>
          %dma_wait3A_295 = tpu.memref_squeeze %dma_wait3A_294 : memref<1x!tpu.dma_semaphore, #tpu.memory_space<semaphore_mem>> -> memref<!tpu.dma_semaphore, #tpu.memory_space<semaphore_mem>>
          %dma_wait3A_296 = arith.constant 0 : i32
          %dma_wait3A_297 = arith.constant 0 : i32
          %dma_wait3A_298 = tpu.memref_slice %run_scoped3A_11[%rem3A_287, %dma_wait3A_296, %dma_wait3A_297] : memref<2x8x1024xf32, #tpu.memory_space<vmem>> -> memref<1x8x1024xf32, #tpu.memory_space<vmem>>
          %dma_wait3A_299 = tpu.memref_squeeze %dma_wait3A_298 : memref<1x8x1024xf32, #tpu.memory_space<vmem>> -> memref<8x1024xf32, #tpu.memory_space<vmem>>
          %dma_wait3A_300 = arith.constant 0 : i32
          %dma_wait3A_301 = tpu.memref_slice %arg5[%mul3A_285, %dma_wait3A_300] : memref<32768x1024xf32, #tpu.memory_space<hbm>> -> memref<8x1024xf32, #tpu.memory_space<hbm>>
          tpu.wait_dma2 semaphore(%dma_wait3A_295 : memref<!tpu.dma_semaphore, #tpu.memory_space<semaphore_mem>>) src(%dma_wait3A_301 : memref<8x1024xf32, #tpu.memory_space<hbm>>) dst(%dma_wait3A_299 : memref<8x1024xf32, #tpu.memory_space<vmem>>)
          "tpu.trace_stop"() : () -> ()
        } else {
        }
        %ne3A_195 = arith.cmpi ne, %add3A_137, %add3A_146 : i32
        %or3A_196 = arith.constant false
        %or3A_197 = arith.ori %or3A_196, %ne3A_195 : i1
        %or3A_198 = arith.constant false
        %or3A_199 = arith.ori %or3A_197, %or3A_198 : i1
        %or3A_200 = arith.ori %or3A_199, %eq3A_134 : i1
        %convert_element_type3A_201 = arith.extui %or3A_200 : i1 to i32
        %cond3A_202 = arith.constant 0 : i32
        %cond3A_203 = arith.cmpi ne, %convert_element_type3A_201, %cond3A_202 : i32
        scf.if %cond3A_203 {
        } else {
        }
        %rem3A_204 = arith.constant 2 : i32
        %rem3A_205 = arith.remui %scan3A_129, %rem3A_204 : i32
        %rem3A_206 = arith.constant 2 : i32
        %rem3A_207 = arith.remui %scan3A_130, %rem3A_206 : i32
        "tpu.trace_start"() <{level = 10 : i32, message = "ep_run_kernel"}> : () -> ()
        %scan3A_208 = arith.constant 0 : i32
        %scan3A_209 = arith.constant 8 : i32
        %scan3A_210 = arith.addi %scan3A_208, %scan3A_209 : i32
        %scan3A_211 = arith.constant 1 : i32
        scf.for %scan3A_284 = %scan3A_208 to %scan3A_210 step %scan3A_211  : i32 {
          %mul3A_285 = arith.constant 1 : i32
          %mul3A_286 = arith.muli %scan3A_284, %mul3A_285 : i32
          %add3A_287 = arith.constant 0 : i32
          %add3A_288 = arith.addi %add3A_287, %mul3A_286 : i32
          %scan3A_289 = arith.constant 0 : i32
          %scan3A_290 = arith.constant 64 : i32
          %scan3A_291 = arith.addi %scan3A_289, %scan3A_290 : i32
          %scan3A_292 = arith.constant 1 : i32
          scf.for %scan3A_294 = %scan3A_289 to %scan3A_291 step %scan3A_292  : i32 {
            %mul3A_295 = arith.constant 16 : i32
            %mul3A_296 = arith.muli %scan3A_294, %mul3A_295 : i32
            %add3A_297 = arith.constant 0 : i32
            %add3A_298 = arith.addi %add3A_297, %mul3A_296 : i32
            %get3A = arith.constant 0 : i32
            %get3A_299 = arith.constant 0 : i32
            %get3A_300 = tpu.memref_slice %run_scoped3A_11[%rem3A_205, %get3A, %get3A_299] : memref<2x8x1024xf32, #tpu.memory_space<vmem>> -> memref<1x8x1024xf32, #tpu.memory_space<vmem>>
            %get3A_301 = tpu.memref_squeeze %get3A_300 : memref<1x8x1024xf32, #tpu.memory_space<vmem>> -> memref<8x1024xf32, #tpu.memory_space<vmem>>
            %get3A_302 = arith.index_cast %add3A_288 : i32 to index
            %get3A_303 = arith.index_cast %add3A_298 : i32 to index
            %get3A_304 = tpu.vector_load %get3A_301[%get3A_302, %get3A_303] {strides = array<i32>} : memref<8x1024xf32, #tpu.memory_space<vmem>>, vector<1x16xf32>,
            %get3A_305 = vector.shape_cast %get3A_304 : vector<1x16xf32> to vector<1x16xf32>
            %get3A_306 = arith.constant 0 : index
            %get3A_307 = arith.index_cast %add3A_298 : i32 to index
            %get3A_308 = tpu.vector_load %arg7[%get3A_306, %get3A_307] {strides = array<i32>} : memref<1x1024xf32, #tpu.memory_space<vmem>>, vector<1x16xf32>,
            %get3A_309 = vector.shape_cast %get3A_308 : vector<1x16xf32> to vector<1x16xf32>
            %add3A_310 = arith.addf %get3A_305, %get3A_309 : vector<1x16xf32>
            %swap3A = arith.constant 0 : i32
            %swap3A_311 = arith.constant 0 : i32
            %swap3A_312 = tpu.memref_slice %run_scoped3A_13[%rem3A_207, %swap3A, %swap3A_311] : memref<2x8x1024xf32, #tpu.memory_space<vmem>> -> memref<1x8x1024xf32, #tpu.memory_space<vmem>>
            %swap3A_313 = tpu.memref_squeeze %swap3A_312 : memref<1x8x1024xf32, #tpu.memory_space<vmem>> -> memref<8x1024xf32, #tpu.memory_space<vmem>>
            %swap3A_314 = arith.index_cast %add3A_288 : i32 to index
            %swap3A_315 = arith.index_cast %add3A_298 : i32 to index
            %swap3A_316 = tpu.vector_load %swap3A_313[%swap3A_314, %swap3A_315] {strides = array<i32>} : memref<8x1024xf32, #tpu.memory_space<vmem>>, vector<1x16xf32>,
            %swap3A_317 = vector.shape_cast %swap3A_316 : vector<1x16xf32> to vector<1x16xf32>
            %swap3A_318 = vector.shape_cast %add3A_310 : vector<1x16xf32> to vector<1x16xf32>
            tpu.vector_store %swap3A_313[%swap3A_314, %swap3A_315], %swap3A_318 {strides = array<i32>} : memref<8x1024xf32, #tpu.memory_space<vmem>>, vector<1x16xf32>,
          }
          %scan3A_293 = arith.constant 64 : i32
        }
        %scan3A_212 = arith.constant 8 : i32
        "tpu.trace_stop"() : () -> ()
        %ne3A_213 = arith.cmpi ne, %add3A_137, %add3A_155 : i32
        %or3A_214 = arith.constant false
        %or3A_215 = arith.ori %or3A_214, %ne3A_213 : i1
        %or3A_216 = arith.constant false
        %or3A_217 = arith.ori %or3A_215, %or3A_216 : i1
        %or3A_218 = arith.ori %or3A_217, %eq3A_136 : i1
        %convert_element_type3A_219 = arith.extui %or3A_218 : i1 to i32
        %cond3A_220 = arith.constant 0 : i32
        %cond3A_221 = arith.cmpi ne, %convert_element_type3A_219, %cond3A_220 : i32
        scf.if %cond3A_221 {
        } else {
        }
        %and3A_222 = arith.constant false
        %and3A_223 = arith.andi %or3A_218, %and3A_222 : i1
        %ne3A_224 = arith.cmpi ne, %add3A_137, %add3A_155 : i32
        %or3A_225 = arith.constant false
        %or3A_226 = arith.ori %or3A_225, %ne3A_224 : i1
        %or3A_227 = arith.constant false
        %or3A_228 = arith.ori %or3A_226, %or3A_227 : i1
        %or3A_229 = arith.ori %or3A_228, %eq3A_136 : i1
        %convert_element_type3A_230 = arith.extui %or3A_229 : i1 to i32
        %cond3A_231 = arith.constant 0 : i32
        %cond3A_232 = arith.cmpi ne, %convert_element_type3A_230, %cond3A_231 : i32
        scf.if %cond3A_232 {
          "tpu.trace_start"() <{level = 10 : i32, message = "ep_copy_out"}> : () -> ()
          %rem3A_284 = arith.constant 2 : i32
          %rem3A_285 = arith.remui %scan3A_130, %rem3A_284 : i32
          %mul3A_286 = arith.constant 8 : i32
          %mul3A_287 = arith.muli %mul3A_286, %add3A_137 : i32
          %dma_start3A_288 = arith.constant 0 : i32
          %dma_start3A_289 = arith.constant 0 : i32
          %dma_start3A_290 = tpu.memref_slice %run_scoped3A_13[%rem3A_285, %dma_start3A_288, %dma_start3A_289] : memref<2x8x1024xf32, #tpu.memory_space<vmem>> -> memref<1x8x1024xf32, #tpu.memory_space<vmem>>
          %dma_start3A_291 = tpu.memref_squeeze %dma_start3A_290 : memref<1x8x1024xf32, #tpu.memory_space<vmem>> -> memref<8x1024xf32, #tpu.memory_space<vmem>>
          %dma_start3A_292 = arith.constant 0 : i32
          %dma_start3A_293 = tpu.memref_slice %arg6[%mul3A_287, %dma_start3A_292] : memref<32768x1024xf32, #tpu.memory_space<hbm>> -> memref<8x1024xf32, #tpu.memory_space<hbm>>
          %dma_start3A_294 = tpu.memref_slice %run_scoped3A_14[%rem3A_285] : memref<2x!tpu.dma_semaphore, #tpu.memory_space<semaphore_mem>> -> memref<1x!tpu.dma_semaphore, #tpu.memory_space<semaphore_mem>>
          %dma_start3A_295 = tpu.memref_squeeze %dma_start3A_294 : memref<1x!tpu.dma_semaphore, #tpu.memory_space<semaphore_mem>> -> memref<!tpu.dma_semaphore, #tpu.memory_space<semaphore_mem>>
          %dma_start3A_296 = arith.constant 0 : i32
          %dma_start3A_297 = tpu.memref_slice %arg6[%mul3A_287, %dma_start3A_296] : memref<32768x1024xf32, #tpu.memory_space<hbm>> -> memref<8x1024xf32, #tpu.memory_space<hbm>>
          %dma_start3A_298 = arith.constant 0 : i32
          %dma_start3A_299 = arith.constant 0 : i32
          %dma_start3A_300 = tpu.memref_slice %run_scoped3A_13[%rem3A_285, %dma_start3A_298, %dma_start3A_299] : memref<2x8x1024xf32, #tpu.memory_space<vmem>> -> memref<1x8x1024xf32, #tpu.memory_space<vmem>>
          %dma_start3A_301 = tpu.memref_squeeze %dma_start3A_300 : memref<1x8x1024xf32, #tpu.memory_space<vmem>> -> memref<8x1024xf32, #tpu.memory_space<vmem>>
          tpu.enqueue_dma source(%dma_start3A_301 : memref<8x1024xf32, #tpu.memory_space<vmem>>) target(%dma_start3A_297 : memref<8x1024xf32, #tpu.memory_space<hbm>>) target_semaphore(%dma_start3A_295 : memref<!tpu.dma_semaphore, #tpu.memory_space<semaphore_mem>>)
          "tpu.trace_stop"() : () -> ()
        } else {
        }
        %and3A_233 = arith.constant true
        %and3A_234 = arith.andi %or3A_229, %and3A_233 : i1
        %add3A_235 = arith.constant 1 : i32
        %add3A_236 = arith.addi %scan3A_130, %add3A_235 : i32
        %select_n3A_237 = arith.select %and3A_234, %add3A_236, %scan3A_130 : i32
        %ne3A_238 = arith.cmpi ne, %add3A_137, %add3A_146 : i32
        %or3A_239 = arith.constant false
        %or3A_240 = arith.ori %or3A_239, %ne3A_238 : i1
        %or3A_241 = arith.constant false
        %or3A_242 = arith.ori %or3A_240, %or3A_241 : i1
        %not3A_243 = arith.constant true
        %not3A_244 = arith.xori %eq3A_134, %not3A_243 : i1
        %and3A_245 = arith.andi %or3A_242, %not3A_244 : i1
        %convert_element_type3A_246 = arith.extui %and3A_245 : i1 to i32
        %cond3A_247 = arith.constant 0 : i32
        %cond3A_248 = arith.cmpi ne, %convert_element_type3A_246, %cond3A_247 : i32
        scf.if %cond3A_248 {
        } else {
        }
        %and3A_249 = arith.constant false
        %and3A_250 = arith.andi %and3A_245, %and3A_249 : i1
        %ne3A_251 = arith.cmpi ne, %add3A_137, %add3A_146 : i32
        %or3A_252 = arith.constant false
        %or3A_253 = arith.ori %or3A_252, %ne3A_251 : i1
        %or3A_254 = arith.constant false
        %or3A_255 = arith.ori %or3A_253, %or3A_254 : i1
        %not3A_256 = arith.constant true
        %not3A_257 = arith.xori %eq3A_134, %not3A_256 : i1
        %and3A_258 = arith.andi %or3A_255, %not3A_257 : i1
        %convert_element_type3A_259 = arith.extui %and3A_258 : i1 to i32
        %cond3A_260 = arith.constant 0 : i32
        %cond3A_261 = arith.cmpi ne, %convert_element_type3A_259, %cond3A_260 : i32
        scf.if %cond3A_261 {
          "tpu.trace_start"() <{level = 10 : i32, message = "ep_wait_out"}> : () -> ()
          %rem3A_284 = arith.constant 2 : i32
          %rem3A_285 = arith.remui %scan3A_131, %rem3A_284 : i32
          %mul3A_286 = arith.constant 8 : i32
          %mul3A_287 = arith.muli %mul3A_286, %add3A_146 : i32
          %dma_wait3A_288 = arith.constant 0 : i32
          %dma_wait3A_289 = arith.constant 0 : i32
          %dma_wait3A_290 = tpu.memref_slice %run_scoped3A_13[%rem3A_285, %dma_wait3A_288, %dma_wait3A_289] : memref<2x8x1024xf32, #tpu.memory_space<vmem>> -> memref<1x8x1024xf32, #tpu.memory_space<vmem>>
          %dma_wait3A_291 = tpu.memref_squeeze %dma_wait3A_290 : memref<1x8x1024xf32, #tpu.memory_space<vmem>> -> memref<8x1024xf32, #tpu.memory_space<vmem>>
          %dma_wait3A_292 = arith.constant 0 : i32
          %dma_wait3A_293 = tpu.memref_slice %arg6[%mul3A_287, %dma_wait3A_292] : memref<32768x1024xf32, #tpu.memory_space<hbm>> -> memref<8x1024xf32, #tpu.memory_space<hbm>>
          %dma_wait3A_294 = tpu.memref_slice %run_scoped3A_14[%rem3A_285] : memref<2x!tpu.dma_semaphore, #tpu.memory_space<semaphore_mem>> -> memref<1x!tpu.dma_semaphore, #tpu.memory_space<semaphore_mem>>
          %dma_wait3A_295 = tpu.memref_squeeze %dma_wait3A_294 : memref<1x!tpu.dma_semaphore, #tpu.memory_space<semaphore_mem>> -> memref<!tpu.dma_semaphore, #tpu.memory_space<semaphore_mem>>
          %dma_wait3A_296 = arith.constant 0 : i32
          %dma_wait3A_297 = tpu.memref_slice %arg6[%mul3A_287, %dma_wait3A_296] : memref<32768x1024xf32, #tpu.memory_space<hbm>> -> memref<8x1024xf32, #tpu.memory_space<hbm>>
          %dma_wait3A_298 = arith.constant 0 : i32
          %dma_wait3A_299 = arith.constant 0 : i32
          %dma_wait3A_300 = tpu.memref_slice %run_scoped3A_13[%rem3A_285, %dma_wait3A_298, %dma_wait3A_299] : memref<2x8x1024xf32, #tpu.memory_space<vmem>> -> memref<1x8x1024xf32, #tpu.memory_space<vmem>>
          %dma_wait3A_301 = tpu.memref_squeeze %dma_wait3A_300 : memref<1x8x1024xf32, #tpu.memory_space<vmem>> -> memref<8x1024xf32, #tpu.memory_space<vmem>>
          tpu.wait_dma2 semaphore(%dma_wait3A_295 : memref<!tpu.dma_semaphore, #tpu.memory_space<semaphore_mem>>) src(%dma_wait3A_301 : memref<8x1024xf32, #tpu.memory_space<vmem>>) dst(%dma_wait3A_297 : memref<8x1024xf32, #tpu.memory_space<hbm>>)
          "tpu.trace_stop"() : () -> ()
        } else {
        }
        %and3A_262 = arith.constant true
        %and3A_263 = arith.andi %and3A_258, %and3A_262 : i1
        %add3A_264 = arith.constant 1 : i32
        %add3A_265 = arith.addi %scan3A_131, %add3A_264 : i32
        %select_n3A_266 = arith.select %and3A_263, %add3A_265, %scan3A_131 : i32
        %ne3A_267 = arith.cmpi ne, %add3A_137, %add3A_155 : i32
        %or3A_268 = arith.constant false
        %or3A_269 = arith.ori %or3A_268, %ne3A_267 : i1
        %or3A_270 = arith.constant false
        %or3A_271 = arith.ori %or3A_269, %or3A_270 : i1
        %or3A_272 = arith.ori %or3A_271, %eq3A_136 : i1
        %add3A_273 = arith.constant 1 : i32
        %add3A_274 = arith.addi %scan3A_129, %add3A_273 : i32
        %select_n3A_275 = arith.select %or3A_272, %add3A_274, %scan3A_129 : i32
        %add3A_276 = arith.constant 1 : i32
        %add3A_277 = arith.addi %scan3A_132, %add3A_276 : i32
        %select_n3A_278 = arith.constant true
        %select_n3A_279 = arith.select %select_n3A_278, %add3A_277, %scan3A_132 : i32
        %eq3A_280 = arith.constant 128 : i32
        %eq3A_281 = arith.cmpi eq, %select_n3A_279, %eq3A_280 : i32
        %select_n3A_282 = arith.constant 0 : i32
        %select_n3A_283 = arith.select %eq3A_281, %select_n3A_282, %select_n3A_279 : i32
        scf.yield %select_n3A_175, %select_n3A_275, %select_n3A_237, %select_n3A_266, %select_n3A_283 : i32, i32, i32, i32, i32
      }
      %scan3A_74 = arith.constant 128 : i32
      %sub3A = arith.constant 1 : i32
      %sub3A_75 = arith.subi %scan3A_73#4, %sub3A : i32
      %select_n3A_76 = arith.constant true
      %select_n3A_77 = arith.select %select_n3A_76, %sub3A_75, %scan3A_73#4 : i32
      %eq3A_78 = arith.constant -1 : i32
      %eq3A_79 = arith.cmpi eq, %select_n3A_77, %eq3A_78 : i32
      %select_n3A_80 = arith.constant 127 : i32
      %select_n3A_81 = arith.select %eq3A_79, %select_n3A_80, %select_n3A_77 : i32
      %add3A_82 = arith.addi %select_n3A_81, %mul3A_10 : i32
      %sub3A_83 = arith.constant 1 : i32
      %sub3A_84 = arith.subi %select_n3A_81, %sub3A_83 : i32
      %select_n3A_85 = arith.constant true
      %select_n3A_86 = arith.select %select_n3A_85, %sub3A_84, %select_n3A_81 : i32
      %eq3A_87 = arith.constant -1 : i32
      %eq3A_88 = arith.cmpi eq, %select_n3A_86, %eq3A_87 : i32
      %select_n3A_89 = arith.constant 127 : i32
      %select_n3A_90 = arith.select %eq3A_88, %select_n3A_89, %select_n3A_86 : i32
      %add3A_91 = arith.addi %select_n3A_90, %mul3A_10 : i32
      %add3A_92 = arith.constant 1 : i32
      %add3A_93 = arith.addi %select_n3A_81, %add3A_92 : i32
      %select_n3A_94 = arith.constant true
      %select_n3A_95 = arith.select %select_n3A_94, %add3A_93, %select_n3A_81 : i32
      %eq3A_96 = arith.constant 128 : i32
      %eq3A_97 = arith.cmpi eq, %select_n3A_95, %eq3A_96 : i32
      %select_n3A_98 = arith.constant 0 : i32
      %select_n3A_99 = arith.select %eq3A_97, %select_n3A_98, %select_n3A_95 : i32
      %add3A_100 = arith.addi %select_n3A_99, %mul3A_10 : i32
      %add3A_101 = arith.constant 1 : i32
      %add3A_102 = arith.addi %select_n3A_99, %add3A_101 : i32
      %select_n3A_103 = arith.constant true
      %select_n3A_104 = arith.select %select_n3A_103, %add3A_102, %select_n3A_99 : i32
      %eq3A_105 = arith.constant 128 : i32
      %eq3A_106 = arith.cmpi eq, %select_n3A_104, %eq3A_105 : i32
      %select_n3A_107 = arith.constant 0 : i32
      %select_n3A_108 = arith.select %eq3A_106, %select_n3A_107, %select_n3A_104 : i32
      %add3A_109 = arith.addi %select_n3A_108, %mul3A_10 : i32
      "tpu.trace_start"() <{level = 10 : i32, message = "ep_finalize"}> : () -> ()
      %rem3A_110 = arith.constant 2 : i32
      %rem3A_111 = arith.remui %scan3A_73#3, %rem3A_110 : i32
      %mul3A_112 = arith.constant 8 : i32
      %mul3A_113 = arith.muli %mul3A_112, %add3A_82 : i32
      %dma_wait3A = arith.constant 0 : i32
      %dma_wait3A_114 = arith.constant 0 : i32
      %dma_wait3A_115 = tpu.memref_slice %run_scoped3A_13[%rem3A_111, %dma_wait3A, %dma_wait3A_114] : memref<2x8x1024xf32, #tpu.memory_space<vmem>> -> memref<1x8x1024xf32, #tpu.memory_space<vmem>>
      %dma_wait3A_116 = tpu.memref_squeeze %dma_wait3A_115 : memref<1x8x1024xf32, #tpu.memory_space<vmem>> -> memref<8x1024xf32, #tpu.memory_space<vmem>>
      %dma_wait3A_117 = arith.constant 0 : i32
      %dma_wait3A_118 = tpu.memref_slice %arg6[%mul3A_113, %dma_wait3A_117] : memref<32768x1024xf32, #tpu.memory_space<hbm>> -> memref<8x1024xf32, #tpu.memory_space<hbm>>
      %dma_wait3A_119 = tpu.memref_slice %run_scoped3A_14[%rem3A_111] : memref<2x!tpu.dma_semaphore, #tpu.memory_space<semaphore_mem>> -> memref<1x!tpu.dma_semaphore, #tpu.memory_space<semaphore_mem>>
      %dma_wait3A_120 = tpu.memref_squeeze %dma_wait3A_119 : memref<1x!tpu.dma_semaphore, #tpu.memory_space<semaphore_mem>> -> memref<!tpu.dma_semaphore, #tpu.memory_space<semaphore_mem>>
      %dma_wait3A_121 = arith.constant 0 : i32
      %dma_wait3A_122 = tpu.memref_slice %arg6[%mul3A_113, %dma_wait3A_121] : memref<32768x1024xf32, #tpu.memory_space<hbm>> -> memref<8x1024xf32, #tpu.memory_space<hbm>>
      %dma_wait3A_123 = arith.constant 0 : i32
      %dma_wait3A_124 = arith.constant 0 : i32
      %dma_wait3A_125 = tpu.memref_slice %run_scoped3A_13[%rem3A_111, %dma_wait3A_123, %dma_wait3A_124] : memref<2x8x1024xf32, #tpu.memory_space<vmem>> -> memref<1x8x1024xf32, #tpu.memory_space<vmem>>
      %dma_wait3A_126 = tpu.memref_squeeze %dma_wait3A_125 : memref<1x8x1024xf32, #tpu.memory_space<vmem>> -> memref<8x1024xf32, #tpu.memory_space<vmem>>
      tpu.wait_dma2 semaphore(%dma_wait3A_120 : memref<!tpu.dma_semaphore, #tpu.memory_space<semaphore_mem>>) src(%dma_wait3A_126 : memref<8x1024xf32, #tpu.memory_space<vmem>>) dst(%dma_wait3A_122 : memref<8x1024xf32, #tpu.memory_space<hbm>>)
      "tpu.trace_stop"() : () -> ()
      tpu.yield
    }) : () -> ()
    return
  }
}

</mosaic_0001>

<sc_bundles>
// kernel: kernel.3.cloned.1.call-start
scs
__scs_entry_jumppad:
0x0: {  	(pc) =	sbr.rel $0x88, $3  }
0x1: {  	(tag) =	ssettag $0x0;
	lr =	simm.s32 $0x1  }
0x2: {  	[smem:$0x3F9D] =	sst lr;
	_ =	strace $0xD0000000  }
0x3: {  	_ = 	snop  }
0x4: {  	_ = 	snop  }
0x5: {  	_ = 	snop  }
0x6: {  	_ = 	snop  }
0x7: {  	_ = 	snop  }
__scs_overlays_trampoline_lowered:
0x8: {  	[smem:$0x3FAC] =	sst s0  }
0x9: {  	[smem:$0x3FAD] =	sst s1  }
0xa: {  	[smem:$0x3FAE] =	sst s2  }
0xb: {  	[smem:$0x3FAF] =	sst s3  }
0xc: {  	[smem:$0x3FB0] =	sst s4  }
0xd: {  	[smem:$0x3FB1] =	sst s5  }
0xe: {  	[smem:$0x3FB2] =	sst s6  }
0xf: {  	[smem:$0x3FB3] =	sst s7  }
0x10: {  	[smem:$0x3FB4] =	sst s8  }
0x11: {  	[smem:$0x3FB5] =	sst s9;
	s0 =	simm.s32 @!p0 $0x0  }
0x12: {  	s1 =	sld [smem:$0x3F9B];
	s0 =	simm.s32 @p0 $0x1  }
0x13: {  	[smem:$0x3FB6] =	sst s0;
	s0 =	simm.s32 @!p1 $0x0  }
0x14: {  	s2 =	sld [smem:$0x3F9A];
	s0 =	simm.s32 @p1 $0x1  }
0x15: {  	[smem:$0x3FB7] =	sst s0;
	s0 =	simm.s32 @!p2 $0x0  }
0x16: {  	s3 =	sld [smem:$0x3FDB];
	s0 =	simm.s32 @p2 $0x1  }
0x17: {  	s4 =	simm.s32 $0x1BF5;
	[smem:$0x3FB9] =	sst s0  }
0x18: {  	s0 =	sld [smem:$0x3F9C];
	_ =	swait.ge [sflag:s4], $0x0  }
0x19: {  	s7 =	sld [smem:$0x3F9D]  }
0x1a: {  	s8 =	sadd.s32 $0xFFFFE003, lr  }
0x1b: {  	s9 =	sadd.s32 $0xFFFFFEF7, lr;
	s5 =	simm.s32 $0xFFFFFFFF;
	p2 =	slt.u32 s8, $0xFFFFF086  }
0x1c: {  	p1 =	slt.u32 s9, $0xF7A;
	s5 =	simm.s32 @!p2 $0x0  }
0x1d: {  	s5 =	simm.s32 @p1 $0x1;
	p0 =	seq.s32 s7, s2  }
0x1e: {  	s7 =	smul.u32 @!p0 $0xF7A, s2;
	p2 =	seq.s32 @!p0 s5, $0x0  }
0x1f: {  	s9 =	smul.u32 $0xF7A, s1;
	s8 =	simm.s32 @!p0 $0x1BF5;
	p2 =	por !p2, p0  }
0x20: {  	[sflag:s8] =	ssyncset.s32 @!p0 $0xFFFFF086;
	s6 =	sadd.s32 @!p0 s3, s7;
	s7 =	simm.s32 @!p0 $0x108  }
0x21: {  	s3 =	sadd.s32 s3, s9;
	s6 =	sadd.s32 @!p0 $0x88, s6;
	s7 =	simm.s32 @p2 $0x1082  }
0x22: {  	[simem:s7], [sflag:s8] =	dma.local @!p0 [hbm:s6], $0xF7A  }
0x23: {  	s9 =	sor.u32 $0xD0000000, s2;
	s6 =	simm.s32 $0x108;
	_ =	swait.ge @!p0 [sflag:s8], $0x0  }
0x24: {  	s3 =	sadd.s32 $0x88, s3;
	s6 =	simm.s32 @!p1 $0x1082;
	[sflag:s4] =	ssyncset.s32 $0xFFFFF086  }
0x25: {  	[simem:s6], [sflag:s4] =	dma.local [hbm:s3], $0xF7A  }
0x26: {  	[smem:$0x3F9D] =	sst s1;
	(tag) =	ssettag s2;
	_ =	strace s9  }
0x27: {  	s1 =	sld [smem:$0x3FAD]  }
0x28: {  	s2 =	sld [smem:$0x3FAE]  }
0x29: {  	s4 =	sld [smem:$0x3FB0]  }
0x2a: {  	p0 =	seq.s32 s5, $0x0;
	s5 =	sld [smem:$0x3FB1]  }
0x2b: {  	s6 =	sld [smem:$0x3FB2]  }
0x2c: {  	s7 =	sld [smem:$0x3FB3]  }
0x2d: {  	s3 =	simm.s32 $0x108;
	s8 =	sld [smem:$0x3FB4]  }
0x2e: {  	s3 =	simm.s32 @!p0 $0x1082;
	s9 =	sld [smem:$0x3FB5]  }
0x2f: {  	lr =	sadd.s32 s0, s3;
	s0 =	sld [smem:$0x3FAC]  }
0x30: {  	s3 =	sld [smem:$0x3FAF]  }
0x31: {  	[smem:$0x3FB8] =	sst s10  }
0x32: {  	s10 =	sld [smem:$0x3FB6];
	_ =	sdelay $0x3  }
0x33: {  	p0 =	seq.s32 s10, $0x1;
	s10 =	sld [smem:$0x3FB8];
	_ =	sdelay $0x3  }
0x34: {  	[smem:$0x3FB8] =	sst s10  }
0x35: {  	s10 =	sld [smem:$0x3FB7];
	_ =	sdelay $0x3  }
0x36: {  	p1 =	seq.s32 s10, $0x1;
	s10 =	sld [smem:$0x3FB8];
	_ =	sdelay $0x3  }
0x37: {  	[smem:$0x3FB8] =	sst s10  }
0x38: {  	s10 =	sld [smem:$0x3FB9]  }
0x39: {  	_ = 	snop;
	(pc) =	sbr.ind lr, $3  }
0x3a: {  	_ = 	snop  }
0x3b: {  	_ = 	snop  }
0x3c: {  	p2 =	seq.s32 s10, $0x1;
	s10 =	sld [smem:$0x3FB8]  }
0x3d: {  	_ =	shalt  }
0x3e: {  	_ =	shalt  }
0x3f: {  	_ =	shalt  }
0x40: {  	_ =	shalt  }
0x41: {  	_ =	shalt  }
0x42: {  	_ =	shalt  }
0x43: {  	_ =	shalt  }
0x44: {  	_ =	shalt  }
0x45: {  	_ =	shalt  }
0x46: {  	_ =	shalt  }
0x47: {  	_ =	shalt  }
0x48: {  	_ =	shalt  }
0x49: {  	_ =	shalt  }
0x4a: {  	_ =	shalt  }
0x4b: {  	_ =	shalt  }
0x4c: {  	_ =	shalt  }
0x4d: {  	_ =	shalt  }
0x4e: {  	_ =	shalt  }
0x4f: {  	_ =	shalt  }
0x50: {  	_ =	shalt  }
0x51: {  	_ =	shalt  }
0x52: {  	_ =	shalt  }
0x53: {  	_ =	shalt  }
0x54: {  	_ =	shalt  }
0x55: {  	_ =	shalt  }
0x56: {  	_ =	shalt  }
0x57: {  	_ =	shalt  }
0x58: {  	_ =	shalt  }
0x59: {  	_ =	shalt  }
0x5a: {  	_ =	shalt  }
0x5b: {  	_ =	shalt  }
0x5c: {  	_ =	shalt  }
0x5d: {  	_ =	shalt  }
0x5e: {  	_ =	shalt  }
0x5f: {  	_ =	shalt  }
0x60: {  	_ =	shalt  }
0x61: {  	_ =	shalt  }
0x62: {  	_ =	shalt  }
0x63: {  	_ =	shalt  }
0x64: {  	_ =	shalt  }
0x65: {  	_ =	shalt  }
0x66: {  	_ =	shalt  }
0x67: {  	_ =	shalt  }
0x68: {  	_ =	shalt  }
0x69: {  	_ =	shalt  }
0x6a: {  	_ =	shalt  }
0x6b: {  	_ =	shalt  }
0x6c: {  	_ =	shalt  }
0x6d: {  	_ =	shalt  }
0x6e: {  	_ =	shalt  }
0x6f: {  	_ =	shalt  }
0x70: {  	_ =	shalt  }
0x71: {  	_ =	shalt  }
0x72: {  	_ =	shalt  }
0x73: {  	_ =	shalt  }
0x74: {  	_ =	shalt  }
0x75: {  	_ =	shalt  }
0x76: {  	_ =	shalt  }
0x77: {  	_ =	shalt  }
0x78: {  	_ =	shalt  }
0x79: {  	_ =	shalt  }
0x7a: {  	_ =	shalt  }
0x7b: {  	_ =	shalt  }
0x7c: {  	_ =	shalt  }
0x7d: {  	_ =	shalt  }
0x7e: {  	_ =	shalt  }
0x7f: {  	_ =	shalt  }
0x80: {  	_ =	shalt  }
0x81: {  	_ =	shalt  }
0x82: {  	_ =	shalt  }
0x83: {  	_ =	shalt  }
0x84: {  	_ =	shalt  }
0x85: {  	_ =	shalt  }
0x86: {  	_ =	shalt  }
0x87: {  	_ =	shalt  }
.Lfunc_end0:
.L_simem_size_0:
called_computation_lowered:
.L_overlay_start_0:
0x88: {  	s2 =	sld [smem:$0x3FD9]  }
0x89: {  	s3 =	sld [smem:$0x3FFE];
	_ =	sdelay $0x1  }
0x8a: {  	s1 =	srdreg.scid  }
0x8b: {  	s0 =	sand.u32 $0x1, s1  }
0x8c: {  	s18 =	sshll.u32 s0, $0xA;
	s2 =	sadd.s32 s3, s2  }
0x8d: {  	s2 =	sadd.s32 s2, s18  }
0x8e: {  	[smem:$0x3FC4] =	sst s2  }
0x8f: {  	_ = 	snop  }
0x90: {  	s2 =	sld [smem:$0x3FC9]  }
0x91: {  	s19 =	sld [smem:$0x3FC8]  }
0x92: {  	s4 =	sld [smem:$0x3FC7]  }
0x93: {  	s5 =	sld [smem:$0x3FC6]  }
0x94: {  	s6 =	sld [smem:$0x3FD0];
	(tm) =	ssettm $0x1  }
0x95: {  	s7 =	sld [smem:$0x3FFB];
	_ =	sdelay $0x3  }
0x96: {  	_ =	strace s7  }
0x97: {  	s7 =	sld [smem:$0x3FFC];
	_ =	sdelay $0x3  }
0x98: {  	_ =	strace s7  }
0x99: {  	s7 =	sld [smem:$0x3FFD];
	_ =	sdelay $0x3  }
0x9a: {  	_ =	strace s7  }
0x9b: {  	_ =	strace $0x8FFFFFFF  }
0x9c: {  	s20 =	sld [smem:$0x3FDB];
	_ =	sdelay $0x1  }
0x9d: {  	s8 =	simm.s32 $_scs_section_size  }
0x9e: {  	s9 =	simm.s32 $_size__tile_overlayer_lowered;
	s10 =	simm.s32 $_tile_overlayer_lowered  }
0x9f: {  	s23 =	simm.s32 $0x1BFF;
	s22 =	sshll.u32 s10, $0x1;
	s7 =	sadd.s32 s8, s20  }
0xa0: {  	s11 =	simm.s32 $0x0;
	s21 =	sshll.u32 s9, $0x1;
	s9 =	sadd.s32 s22, s7  }
0xa1: {  	[timem:s11], [sflag:s23] =	dma.local [hbm:s9], s21  }
0xa2: {  	_ =	swait.ge [sflag:s23], s21  }
0xa3: {  	s8 =	ssub.s32 $0x0, s21;
	[sflag:s23] =	ssyncset.done $0x0  }
0xa4: {  	[sflag:s23] =	ssyncadd.s32 s8;
	_ =	sdelay $0x1  }
0xa5: {  	s24 =	simm.s32 $0x1B8B  }
0xa6: {  	_ =	swait.ge [sflag:s24], $0x1  }
0xa7: {  	[sflag:s24] =	ssyncset.done $0x0  }
0xa8: {  	s25 =	simm.s32 $0x1B8E;
	[sflag:s24] =	ssyncadd.s32 $0xFFFFFFFF  }
0xa9: {  	s26 =	simm.s32 $execute0_lowered;
	[smem:$0x3FD2] =	sst s25  }
0xaa: {  	s8 =	sshll.u32 s26, $0x1;
	_ =	strace $0x80000046;
	[dreg:$0x1] =	wrdreg $0xFFFFFFFF  }
0xab: {  	s28 =	simm.s32 $_size_execute0_lowered;
	s7 =	sadd.s32 s7, s8;
	[dreg:$0x0] =	wrdreg $0x0  }
0xac: {  	s8 =	sshll.u32 s28, $0x1;
	[dreg:$0x2] =	wrdreg s7  }
0xad: {  	[dreg:$0x3] =	wrdreg s8  }
0xae: {  	[dreg:$0x4] =	wrdreg $0xC0  }
0xaf: {  	_ =	task [dreg:s11], $0x5FFFF  }
0xb0: {  	[dreg:$0x1] =	wrdreg $0xFFFFFFFF  }
0xb1: {  	[dreg:$0x0] =	wrdreg $0x60  }
0xb2: {  	[dreg:$0x2] =	wrdreg s19  }
0xb3: {  	[dreg:$0x3] =	wrdreg s4  }
0xb4: {  	[dreg:$0x4] =	wrdreg s5  }
0xb5: {  	[dreg:$0x5] =	wrdreg s2  }
0xb6: {  	[dreg:$0x6] =	wrdreg s6  }
0xb7: {  	[dreg:$0x7] =	wrdreg $0x9  }
0xb8: {  	_ =	task.clear_ibuf [dreg:s11], $0x8FFFF;
	_ =	strace $0x90000046  }
0xb9: {  	s29 =	simm.s32 $0x9;
	_ =	strace $0x8000004F  }
0xba: {  	_ =	swait.ge [sflag:s29], $0x1  }
0xbb: {  	[sflag:s29] =	ssyncadd.s32 $0xFFFFFFFF  }
0xbc: {  	_ =	strace $0x9000004F  }
0xbd: {  	_ =	sfence  }
0xbe: {  	s30 =	sld [smem:$0x0];
	_ =	sdelay $0x2  }
0xbf: {  	s31 =	sshll.u32 s1, $0xD;
	s1 =	sshrl.u32 s1, $0x2  }
0xc0: {  	s3 =	sand.u32 $0x4000, s31;
	s1 =	sadd.s32 s1, s30  }
0xc1: {  	s0 =	sor.u32 s3, s0;
	s1 =	sshll.u32 s1, $0x11  }
0xc2: {  	s0 =	sor.u32 s1, s0  }
0xc3: {  	s0 =	sadd.s32 $0x8F2B, s0  }
0xc4: {  	[sflag:s0] =	ssyncadd.remote.s32 $0x1  }
0xc5: {  	_ =	sfence.sel $0xFFFF  }
0xc6: {  	[dreg:$0x0] =	wrdreg $0xFFFFFFFF;
	(pc) =	sbr.abs _section_cstart, $3  }
0xc7: {  	[dreg:$0x1] =	wrdreg $0xFFFFFFFF  }
0xc8: {  	_ =	task.clear_ibuf [dreg:s11], $0x2FFFF;
	_ =	strace $0x9FFFFFFF  }
0xc9: {  	(tm) =	ssettm $0x7FFFFFFF  }
tec
execute0_lowered:
.L_overlay_start_1:
0x0: {  	(tag) =	ssettag $0x1  }
0x1: {  	s4 =	rddreg [dreg:$0x3]  }
0x2: {  	s5 =	rddreg [dreg:$0x4]  }
0x3: {  	s7 =	simm.s32 $0x0;
	s0 =	srdreg.scid;
	s3 =	stileid.u32  }
0x4: {  	s12 =	simm.s32 $0x1;
	s14 =	simm.s32 $0x100;
	s15 =	simm.s32 $0x400  }
0x5: {  	s16 =	simm.s32 $0x880;
	s17 =	simm.s32 $0x0;
	s0 =	sand.u32 $0x1, s0  }
0x6: {  	s18 =	simm.s32 $0x0;
	s1 =	ssub.s32 $0x2, s0;
	s0 =	sshll.u32 s0, $0x4  }
0x7: {  	[smem:$0x7FF] =	sst s7;
	s2 =	sshrl.u32 s1, $0x1;
	s0 =	sor.u32 s3, s0  }
0x8: {  	v1 =	vlaneseq.u32;
	s1 =	ssub.s32 s1, s2;
	s8 =	sshll.u32 s0, $0x7;
	s0 =	sshll.u32 s0, $0x11  }
0x9: {  	v0 =	vimm.s32 $0x0;
	vm0 =	vmmov $0xff;
	v1 =	vmul.u32 $0x8, v1;
	_ =	strace $0x80000047;
	s9 =	sadd.s32 s4, s0;
	s10 =	smax.u32 s1, $0x1  }
.LBB2_1:
0xa: {  	s0 =	rddreg [dreg:$0x0];
	s1 =	simm.s32 $0x800  }
0xb: {  	[tilespmem:s1], [sflag:$0x1] =	stream.linear.gather [hbm4b:s0+s7], $0x80, $0x38;
	[tilespmem:$0x8880] =	vst v63  }
0xc: {  	_ =	swait.ge [sflag:s12], $0x80  }
0xd: {  	[sflag:s12] =	ssyncset.done $0x0  }
0xe: {  	[sflag:s12] =	ssyncadd.s32 $0xFFFFFF80  }
0xf: {  	v2 =	vld.msk [tilespmem:$0x800], $0x1;
	_ =	sdelay $0x4  }
0x10: {  	v3 =	vshll.u32 v2, $0x3  }
0x11: {  	v2 =	vand.u32 $0x7, v2;
	v3 =	vand.u32 $0xFFFFFFC0, v3  }
0x12: {  	v2 =	vor.u32 v2, v3  }
0x13: {  	v2 =	vperm.xlane v2, v0;
	_ =	sdelay $0x1  }
0x14: {  	v2 =	vadd.s32 v1, v2;
	_ =	sdelay $0x3  }
0x15: {  	s29 =	rddreg [dreg:$0x1]  }
0x16: {  	[tilespmem:s7], [sflag:$0x1] =	stream.indirect_vreg.gather [hbm4b:s29+s7], $0x80, v2, vm0, $0xb8;
	[tilespmem:$0x8880] =	vst v63  }
0x17: {  	_ =	swait.ge [sflag:s12], $0x400  }
0x18: {  	[sflag:s12] =	ssyncset.done $0x0  }
0x19: {  	[sflag:s12] =	ssyncadd.s32 $0xFFFFFC00  }
0x1a: {  	s31 =	simm.s32 $0x80;
	s30 =	rddreg [dreg:$0x2]  }
0x1b: {  	[tilespmem:s15], [sflag:$0x1] =	stream.strided.gather [hbm4b:s30+s31], $0x400, s14, s31, $0x38;
	[tilespmem:$0x8880] =	vst v63  }
0x1c: {  	_ =	swait.ge [sflag:s12], $0x400  }
0x1d: {  	[sflag:s12] =	ssyncset.done $0x0  }
0x1e: {  	s0 =	simm.s32 $0x0;
	[sflag:s12] =	ssyncadd.s32 $0xFFFFFC00  }
0x1f: {  	s1 =	simm.s32 $0x40;
	v2 =	vld [tilespmem:s0+$0x400]  }
.LBB2_2:
0x20: {  	p0 =	sne.s32 s1, $0xFC0;
	v3 =	vld [tilespmem:s0+$0x0];
	_ =	sdelay $0x2  }
.Ltmp0:
0x21: {  	(pc) =	sbr.rel @p0 .LBB2_2-.Ltmp0, $4  }
0x22: {  	_ = 	snop  }
0x23: {  	v3 =	vadd.f32 v2, v3  }
0x24: {  	s2 =	sshra.s32 s1, $0x2  }
0x25: {  	s1 =	sadd.s32 $0x40, s1;
	v2 =	vld [tilespmem:s2+$0x400];
	[tilespmem:s0+$0x0] =	vst v3;
	s0 =	smov.u32 s2  }
0x26: {  	v3 =	vld [tilespmem:s0+$0x0];
	_ =	sdelay $0x4  }
0x27: {  	v2 =	vadd.f32 v2, v3;
	_ =	sdelay $0x1  }
0x28: {  	s19 =	simm.s32 $0x1;
	s21 =	simm.s32 $0x0;
	[tilespmem:s0+$0x0] =	vst v2  }
0x29: {  	s20 =	simm.s32 $0x0;
	s22 =	simm.s32 $0x0;
	_ =	strace $0x80000048  }
0x2a: {  	[tilespmem:s16], [sflag:$0x1] =	stream.linear.gather [hbm4b:s9+s18], $0x2000, $0x200038;
	[tilespmem:$0x8880] =	vst v63  }
0x2b: {  	s23 =	simm.s32 $0x0;
	s24 =	simm.s32 $0x0;
	_ =	strace $0x90000048  }
.LBB2_4:
0x2c: {  	s1 =	smov.u32 s21;
	s21 =	sadd.s32 $0x1, s21  }
0x2d: {  	p0 =	seq.s32 s21, $0x80  }
0x2e: {  	s21 =	simm.s32 @p0 $0x0  }
0x2f: {  	p6 =	sne.s32 s24, $0x7F;
	p1 =	sne.s32 s1, s21  }
0x30: {  	p0 =	por !p6, !p1  }
0x31: {  	p0 =	por !p0, !p0  }
0x32: {  	s11 =	sshll.u32 s23, $0xD;
	s2 =	sadd.s32 @p0 s8, s21  }
0x33: {  	s0 =	sand.u32 @p0 $0x1, s19;
	_ =	strace @p0 $0x80000049;
	s2 =	sshll.u32 @p0 s2, $0xA  }
0x34: {  	s6 =	simm.s32 @p0 $0x0;
	s3 =	sshll.u32 @p0 s0, $0xD;
	s2 =	sand.u32 @p0 $0x1FFFFC00, s2  }
0x35: {  	s0 =	sadd.s32 @p0 $0x1, s0;
	s3 =	sor.u32 @p0 $0x880, s3;
	s2 =	sadd.s32 @p0 s4, s2  }
0x36: {  	[tilespmem:s3], [sflag:s0] =	stream.linear.gather @p0 [hbm4b:s2+s6], $0x2000, $0x200038;
	[tilespmem:$0x8880] =	vst v63  }
0x37: {  	s13 =	sand.u32 $0x1, s23;
	s0 =	sand.u32 $0x2000, s11;
	_ =	strace @p0 $0x90000049  }
0x38: {  	s2 =	sadd.s32 $0x1, s13;
	s29 =	sor.u32 $0x880, s0;
	_ =	strace $0x8000004A  }
0x39: {  	v2 =	vmov s29;
	_ =	swait.ge [sflag:s2], $0x2000  }
0x3a: {  	[sflag:s2] =	ssyncset.done $0x0  }
0x3b: {  	[sflag:s2] =	ssyncadd.s32 $0xFFFFE000  }
0x3c: {  	s25 =	sand.u32 $0x70, s18;
	s26 =	sand.u32 $0x1C00, s18;
	_ =	strace $0x9000004A  }
0x3d: {  	s0 =	sor.u32 s25, s26;
	_ =	strace $0x8000004B  }
0x3e: {  	s25 =	sand.u32 $0x1, s22;
	v4 =	vld.idx.msk [tilespmem:v2+s0+$0x0 ss:$0x1], $0xffff  }
0x3f: {  	s30 =	sshll.u32 s25, $0xD;
	v5 =	vld [tilespmem:s18+$0x0]  }
0x40: {  	s26 =	sor.u32 $0x4880, s30  }
0x41: {  	v3 =	vmov s26;
	_ =	sdelay $0x1  }
0x42: {  	s28 =	sadd.s32 s8, s1;
	s1 =	simm.s32 $0x10  }
0x43: {  	s31 =	simm.s32 $0x80;
	s6 =	sand.u32 $0x70, s1;
	v4 =	vadd.f32 v5, v4  }
0x44: {  	s11 =	sand.u32 $0x1C00, s31;
	s3 =	simm.s32 $0x100;
	s2 =	simm.s32 $0x0  }
.LBB2_5:
0x45: {  	p2 =	sne.s32 s3, $0x1F80;
	[tilespmem:v3+s0+$0x0 ss:$0x1] =	vst.idx.msk $0xffff, v4;
	s0 =	sor.u32 s6, s11  }
0x46: {  	s2 =	sadd.s32 $0x10, s2;
	v4 =	vld.idx.msk [tilespmem:v2+s0+$0x0 ss:$0x1], $0xffff  }
0x47: {  	v5 =	vld [tilespmem:s2+$0x0];
	_ =	sdelay $0x1  }
.Ltmp1:
0x48: {  	(pc) =	sbr.rel @p2 .LBB2_5-.Ltmp1, $3  }
0x49: {  	_ =	sdelay $0x1  }
0x4a: {  	s1 =	sadd.s32 $0x10, s1;
	v4 =	vadd.f32 v5, v4  }
0x4b: {  	s11 =	sand.u32 $0x1C00, s3;
	s3 =	sadd.s32 $0x80, s3;
	s6 =	sand.u32 $0x70, s1  }
0x4c: {  	_ =	sdelay $0x3  }
0x4d: {  	s1 =	sor.u32 s6, s11;
	[tilespmem:v3+s0+$0x0 ss:$0x1] =	vst.idx.msk $0xffff, v4  }
0x4e: {  	s3 =	sadd.s32 $0x10, s2;
	v4 =	vld.idx.msk [tilespmem:v2+s1+$0x0 ss:$0x1], $0xffff  }
0x4f: {  	v5 =	vld [tilespmem:s3+$0x0];
	_ =	sdelay $0x3  }
0x50: {  	s30 =	simm.s32 $0x0  }
0x51: {  	s6 =	sand.u32 $0x70, s30;
	s11 =	sand.u32 $0x1C00, s30;
	v4 =	vadd.f32 v5, v4  }
0x52: {  	s31 =	sor.u32 s6, s11  }
0x53: {  	s6 =	sor.u32 $0x80, s31;
	[tilespmem:v3+s1+$0x0 ss:$0x1] =	vst.idx.msk $0xffff, v4  }
0x54: {  	s13 =	sadd.s32 s6, s29;
	v4 =	vld [tilespmem:s30+$0x0]  }
0x55: {  	v5 =	vld [tilespmem:s13+$0x0];
	_ =	sdelay $0x3  }
0x56: {  	s0 =	simm.s32 $0x80;
	s2 =	simm.s32 $0x0;
	s1 =	simm.s32 $0x10  }
0x57: {  	s3 =	simm.s32 $0x100;
	s11 =	sand.u32 $0x70, s1;
	s13 =	sand.u32 $0x1C00, s0;
	v4 =	vadd.f32 v4, v5  }
.LBB2_7:
0x58: {  	p2 =	sne.s32 s3, $0x1F80;
	s11 =	sor.u32 s11, s13;
	s13 =	sadd.s32 s6, s26  }
0x59: {  	s2 =	sadd.s32 $0x10, s2;
	s6 =	sor.u32 $0x80, s11;
	[tilespmem:s13+$0x0] =	vst v4  }
0x5a: {  	s11 =	sadd.s32 s6, s29;
	v4 =	vld [tilespmem:s2+$0x0]  }
0x5b: {  	v5 =	vld [tilespmem:s11+$0x0]  }
.Ltmp2:
0x5c: {  	(pc) =	sbr.rel @p2 .LBB2_7-.Ltmp2, $3  }
0x5d: {  	_ =	sdelay $0x1  }
0x5e: {  	s1 =	sadd.s32 $0x10, s1  }
0x5f: {  	s13 =	sand.u32 $0x1C00, s3;
	s3 =	sadd.s32 $0x80, s3;
	s11 =	sand.u32 $0x70, s1;
	v4 =	vadd.f32 v4, v5  }
0x60: {  	s1 =	sor.u32 s11, s13;
	s3 =	sadd.s32 s6, s26  }
0x61: {  	s2 =	sadd.s32 $0x10, s2;
	s1 =	sor.u32 $0x80, s1;
	[tilespmem:s3+$0x0] =	vst v4  }
0x62: {  	s13 =	sadd.s32 s1, s29;
	v4 =	vld [tilespmem:s2+$0x0]  }
0x63: {  	v5 =	vld [tilespmem:s13+$0x0];
	_ =	sdelay $0x4  }
0x64: {  	v4 =	vadd.f32 v4, v5  }
0x65: {  	s1 =	sadd.s32 s1, s26  }
0x66: {  	s6 =	sor.u32 $0x100, s31;
	[tilespmem:s1+$0x0] =	vst v4  }
0x67: {  	s31 =	sadd.s32 s6, s29;
	v4 =	vld [tilespmem:s30+$0x0]  }
0x68: {  	v5 =	vld [tilespmem:s31+$0x0];
	_ =	sdelay $0x3  }
0x69: {  	s1 =	simm.s32 $0x10  }
0x6a: {  	s3 =	sand.u32 $0x1C00, s0;
	s0 =	simm.s32 $0x100;
	s2 =	sand.u32 $0x70, s1;
	v4 =	vadd.f32 v4, v5  }
.LBB2_9:
0x6b: {  	p2 =	sne.s32 s0, $0x1F80;
	s2 =	sor.u32 s2, s3;
	s3 =	sadd.s32 s6, s26  }
0x6c: {  	s30 =	sadd.s32 $0x10, s30;
	s6 =	sor.u32 $0x100, s2;
	[tilespmem:s3+$0x0] =	vst v4  }
0x6d: {  	s2 =	sadd.s32 s6, s29;
	v4 =	vld [tilespmem:s30+$0x0]  }
0x6e: {  	v5 =	vld [tilespmem:s2+$0x0]  }
.Ltmp3:
0x6f: {  	(pc) =	sbr.rel @p2 .LBB2_9-.Ltmp3, $3  }
0x70: {  	_ =	sdelay $0x1  }
0x71: {  	s1 =	sadd.s32 $0x10, s1  }
0x72: {  	s3 =	sand.u32 $0x1C00, s0;
	s0 =	sadd.s32 $0x80, s0;
	s2 =	sand.u32 $0x70, s1;
	v4 =	vadd.f32 v4, v5  }
0x73: {  	s0 =	sor.u32 s2, s3;
	s1 =	sadd.s32 s6, s26  }
0x74: {  	s2 =	sadd.s32 $0x10, s30;
	s0 =	sor.u32 $0x100, s0;
	[tilespmem:s1+$0x0] =	vst v4  }
0x75: {  	s3 =	sadd.s32 s0, s29;
	v4 =	vld [tilespmem:s2+$0x0]  }
0x76: {  	v5 =	vld [tilespmem:s3+$0x0];
	_ =	sdelay $0x3  }
0x77: {  	s30 =	simm.s32 $0x0  }
0x78: {  	s6 =	sand.u32 $0x70, s30;
	s11 =	sand.u32 $0x1C00, s30;
	v4 =	vadd.f32 v4, v5  }
0x79: {  	s0 =	sadd.s32 s0, s26;
	s31 =	sor.u32 s6, s11  }
0x7a: {  	s6 =	sor.u32 $0x180, s31;
	[tilespmem:s0+$0x0] =	vst v4  }
0x7b: {  	s13 =	sadd.s32 s6, s29;
	v4 =	vld [tilespmem:s30+$0x0]  }
0x7c: {  	v5 =	vld [tilespmem:s13+$0x0];
	_ =	sdelay $0x2  }
0x7d: {  	s1 =	simm.s32 $0x10  }
0x7e: {  	s11 =	sand.u32 $0x70, s1;
	s0 =	simm.s32 $0x80  }
0x7f: {  	s2 =	simm.s32 $0x0;
	s3 =	simm.s32 $0x100;
	s13 =	sand.u32 $0x1C00, s0;
	v4 =	vadd.f32 v4, v5  }
.LBB2_11:
0x80: {  	p2 =	sne.s32 s3, $0x1F80;
	s11 =	sor.u32 s11, s13;
	s13 =	sadd.s32 s6, s26  }
0x81: {  	s2 =	sadd.s32 $0x10, s2;
	s6 =	sor.u32 $0x180, s11;
	[tilespmem:s13+$0x0] =	vst v4  }
0x82: {  	s11 =	sadd.s32 s6, s29;
	v4 =	vld [tilespmem:s2+$0x0]  }
0x83: {  	v5 =	vld [tilespmem:s11+$0x0]  }
.Ltmp4:
0x84: {  	(pc) =	sbr.rel @p2 .LBB2_11-.Ltmp4, $3  }
0x85: {  	_ =	sdelay $0x1  }
0x86: {  	s1 =	sadd.s32 $0x10, s1  }
0x87: {  	s13 =	sand.u32 $0x1C00, s3;
	s3 =	sadd.s32 $0x80, s3;
	s11 =	sand.u32 $0x70, s1;
	v4 =	vadd.f32 v4, v5  }
0x88: {  	s1 =	sor.u32 s11, s13;
	s3 =	sadd.s32 s6, s26  }
0x89: {  	s2 =	sadd.s32 $0x10, s2;
	s1 =	sor.u32 $0x180, s1;
	[tilespmem:s3+$0x0] =	vst v4  }
0x8a: {  	s13 =	sadd.s32 s1, s29;
	v4 =	vld [tilespmem:s2+$0x0]  }
0x8b: {  	v5 =	vld [tilespmem:s13+$0x0];
	_ =	sdelay $0x4  }
0x8c: {  	v4 =	vadd.f32 v4, v5  }
0x8d: {  	s1 =	sadd.s32 s1, s26  }
0x8e: {  	s6 =	sor.u32 $0x200, s31;
	[tilespmem:s1+$0x0] =	vst v4  }
0x8f: {  	s31 =	sadd.s32 s6, s29;
	v4 =	vld [tilespmem:s30+$0x0]  }
0x90: {  	v5 =	vld [tilespmem:s31+$0x0];
	_ =	sdelay $0x3  }
0x91: {  	s1 =	simm.s32 $0x10  }
0x92: {  	s3 =	sand.u32 $0x1C00, s0;
	s0 =	simm.s32 $0x100;
	s2 =	sand.u32 $0x70, s1;
	v4 =	vadd.f32 v4, v5  }
.LBB2_13:
0x93: {  	p2 =	sne.s32 s0, $0x1F80;
	s2 =	sor.u32 s2, s3;
	s3 =	sadd.s32 s6, s26  }
0x94: {  	s30 =	sadd.s32 $0x10, s30;
	s6 =	sor.u32 $0x200, s2;
	[tilespmem:s3+$0x0] =	vst v4  }
0x95: {  	s2 =	sadd.s32 s6, s29;
	v4 =	vld [tilespmem:s30+$0x0]  }
0x96: {  	v5 =	vld [tilespmem:s2+$0x0]  }
.Ltmp5:
0x97: {  	(pc) =	sbr.rel @p2 .LBB2_13-.Ltmp5, $3  }
0x98: {  	_ =	sdelay $0x1  }
0x99: {  	s1 =	sadd.s32 $0x10, s1  }
0x9a: {  	s3 =	sand.u32 $0x1C00, s0;
	s0 =	sadd.s32 $0x80, s0;
	s2 =	sand.u32 $0x70, s1;
	v4 =	vadd.f32 v4, v5  }
0x9b: {  	s0 =	sor.u32 s2, s3;
	s1 =	sadd.s32 s6, s26  }
0x9c: {  	s2 =	sadd.s32 $0x10, s30;
	s0 =	sor.u32 $0x200, s0;
	[tilespmem:s1+$0x0] =	vst v4  }
0x9d: {  	s3 =	sadd.s32 s0, s29;
	v4 =	vld [tilespmem:s2+$0x0]  }
0x9e: {  	v5 =	vld [tilespmem:s3+$0x0];
	_ =	sdelay $0x3  }
0x9f: {  	s30 =	simm.s32 $0x0  }
0xa0: {  	s6 =	sand.u32 $0x70, s30;
	s11 =	sand.u32 $0x1C00, s30;
	v4 =	vadd.f32 v4, v5  }
0xa1: {  	s0 =	sadd.s32 s0, s26;
	s31 =	sor.u32 s6, s11  }
0xa2: {  	s6 =	sor.u32 $0x280, s31;
	[tilespmem:s0+$0x0] =	vst v4  }
0xa3: {  	s13 =	sadd.s32 s6, s29;
	v4 =	vld [tilespmem:s30+$0x0]  }
0xa4: {  	v5 =	vld [tilespmem:s13+$0x0];
	_ =	sdelay $0x2  }
0xa5: {  	s1 =	simm.s32 $0x10  }
0xa6: {  	s11 =	sand.u32 $0x70, s1;
	s0 =	simm.s32 $0x80  }
0xa7: {  	s2 =	simm.s32 $0x0;
	s3 =	simm.s32 $0x100;
	s13 =	sand.u32 $0x1C00, s0;
	v4 =	vadd.f32 v4, v5  }
.LBB2_15:
0xa8: {  	p2 =	sne.s32 s3, $0x1F80;
	s11 =	sor.u32 s11, s13;
	s13 =	sadd.s32 s6, s26  }
0xa9: {  	s2 =	sadd.s32 $0x10, s2;
	s6 =	sor.u32 $0x280, s11;
	[tilespmem:s13+$0x0] =	vst v4  }
0xaa: {  	s11 =	sadd.s32 s6, s29;
	v4 =	vld [tilespmem:s2+$0x0]  }
0xab: {  	v5 =	vld [tilespmem:s11+$0x0]  }
.Ltmp6:
0xac: {  	(pc) =	sbr.rel @p2 .LBB2_15-.Ltmp6, $3  }
0xad: {  	_ =	sdelay $0x1  }
0xae: {  	s1 =	sadd.s32 $0x10, s1  }
0xaf: {  	s13 =	sand.u32 $0x1C00, s3;
	s3 =	sadd.s32 $0x80, s3;
	s11 =	sand.u32 $0x70, s1;
	v4 =	vadd.f32 v4, v5  }
0xb0: {  	s1 =	sor.u32 s11, s13;
	s3 =	sadd.s32 s6, s26  }
0xb1: {  	s2 =	sadd.s32 $0x10, s2;
	s1 =	sor.u32 $0x280, s1;
	[tilespmem:s3+$0x0] =	vst v4  }
0xb2: {  	s13 =	sadd.s32 s1, s29;
	v4 =	vld [tilespmem:s2+$0x0]  }
0xb3: {  	v5 =	vld [tilespmem:s13+$0x0];
	_ =	sdelay $0x4  }
0xb4: {  	v4 =	vadd.f32 v4, v5  }
0xb5: {  	s1 =	sadd.s32 s1, s26  }
0xb6: {  	s6 =	sor.u32 $0x300, s31;
	[tilespmem:s1+$0x0] =	vst v4  }
0xb7: {  	s31 =	sadd.s32 s6, s29;
	v4 =	vld [tilespmem:s30+$0x0]  }
0xb8: {  	v5 =	vld [tilespmem:s31+$0x0];
	_ =	sdelay $0x3  }
0xb9: {  	s1 =	simm.s32 $0x10  }
0xba: {  	s3 =	sand.u32 $0x1C00, s0;
	s0 =	simm.s32 $0x100;
	s2 =	sand.u32 $0x70, s1;
	v4 =	vadd.f32 v4, v5  }
.LBB2_17:
0xbb: {  	p2 =	sne.s32 s0, $0x1F80;
	s2 =	sor.u32 s2, s3;
	s3 =	sadd.s32 s6, s26  }
0xbc: {  	s30 =	sadd.s32 $0x10, s30;
	s6 =	sor.u32 $0x300, s2;
	[tilespmem:s3+$0x0] =	vst v4  }
0xbd: {  	s2 =	sadd.s32 s6, s29;
	v4 =	vld [tilespmem:s30+$0x0]  }
0xbe: {  	v5 =	vld [tilespmem:s2+$0x0]  }
.Ltmp7:
0xbf: {  	(pc) =	sbr.rel @p2 .LBB2_17-.Ltmp7, $3  }
0xc0: {  	_ =	sdelay $0x1  }
0xc1: {  	s1 =	sadd.s32 $0x10, s1  }
0xc2: {  	s3 =	sand.u32 $0x1C00, s0;
	s0 =	sadd.s32 $0x80, s0;
	s2 =	sand.u32 $0x70, s1;
	v4 =	vadd.f32 v4, v5  }
0xc3: {  	s0 =	sor.u32 s2, s3;
	s1 =	sadd.s32 s6, s26  }
0xc4: {  	s11 =	sadd.s32 $0x10, s30;
	s2 =	sor.u32 $0x300, s0;
	[tilespmem:s1+$0x0] =	vst v4  }
0xc5: {  	s13 =	sadd.s32 s2, s29;
	v4 =	vld [tilespmem:s11+$0x0]  }
0xc6: {  	v5 =	vld [tilespmem:s13+$0x0];
	_ =	sdelay $0x3  }
0xc7: {  	s0 =	simm.s32 $0x0  }
0xc8: {  	s29 =	sand.u32 $0x70, s0;
	s30 =	sand.u32 $0x1C00, s0;
	v4 =	vadd.f32 v4, v5  }
0xc9: {  	s2 =	sadd.s32 s2, s26;
	s1 =	sor.u32 s29, s30  }
0xca: {  	s6 =	sor.u32 $0x380, s1;
	[tilespmem:s2+$0x0] =	vst v4  }
0xcb: {  	v4 =	vld.idx.msk [tilespmem:v2+s6+$0x0 ss:$0x1], $0xffff  }
0xcc: {  	v5 =	vld [tilespmem:s0+$0x0];
	_ =	sdelay $0x3  }
0xcd: {  	s31 =	simm.s32 $0x80;
	s1 =	simm.s32 $0x10  }
0xce: {  	s11 =	sand.u32 $0x1C00, s31;
	s3 =	sand.u32 $0x70, s1;
	s2 =	simm.s32 $0x100;
	v4 =	vadd.f32 v5, v4  }
.LBB2_19:
0xcf: {  	p2 =	sne.s32 s2, $0x1F80;
	s3 =	sor.u32 s3, s11  }
0xd0: {  	[tilespmem:v3+s6+$0x0 ss:$0x1] =	vst.idx.msk $0xffff, v4;
	s6 =	sor.u32 $0x380, s3  }
0xd1: {  	s0 =	sadd.s32 $0x10, s0;
	v4 =	vld.idx.msk [tilespmem:v2+s6+$0x0 ss:$0x1], $0xffff  }
0xd2: {  	v5 =	vld [tilespmem:s0+$0x0]  }
.Ltmp8:
0xd3: {  	(pc) =	sbr.rel @p2 .LBB2_19-.Ltmp8, $3  }
0xd4: {  	_ =	sdelay $0x1  }
0xd5: {  	s1 =	sadd.s32 $0x10, s1  }
0xd6: {  	s11 =	sand.u32 $0x1C00, s2;
	s2 =	sadd.s32 $0x80, s2;
	s3 =	sand.u32 $0x70, s1;
	v4 =	vadd.f32 v5, v4  }
0xd7: {  	_ =	sdelay $0x2  }
0xd8: {  	s1 =	sor.u32 s3, s11  }
0xd9: {  	s1 =	sor.u32 $0x380, s1;
	[tilespmem:v3+s6+$0x0 ss:$0x1] =	vst.idx.msk $0xffff, v4  }
0xda: {  	s0 =	sadd.s32 $0x10, s0;
	v2 =	vld.idx.msk [tilespmem:v2+s1+$0x0 ss:$0x1], $0xffff  }
0xdb: {  	v4 =	vld [tilespmem:s0+$0x0];
	_ =	sdelay $0x3  }
0xdc: {  	p2 =	seq.s32 s24, $0x7F  }
0xdd: {  	p1 =	por p2, p1;
	v2 =	vadd.f32 v4, v2  }
0xde: {  	s0 =	simm.s32 $0x1;
	s2 =	sadd.s32 @p1 $0x3, s25  }
0xdf: {  	s3 =	simm.s32 @p1 $0x0;
	s0 =	simm.s32 @!p0 $0x0;
	[tilespmem:v3+s1+$0x0 ss:$0x1] =	vst.idx.msk $0xffff, v2;
	s1 =	sshll.u32 @p1 s28, $0xA  }
0xe0: {  	s19 =	sadd.s32 s0, s19;
	_ =	strace $0x9000004B;
	s1 =	sand.u32 @p1 $0x1FFFFC00, s1  }
0xe1: {  	s0 =	simm.s32 $0x1;
	_ =	strace @p1 $0x8000004C;
	s1 =	sadd.s32 @p1 s5, s1  }
0xe2: {  	[hbm4b:s1+s3] =	stream.linear.scatter @p1 [tilespmem:s26], [sflag:s2], $0x2000, $0x200038;
	[tilespmem:$0x8880] =	vst v63  }
0xe3: {  	p0 =	seq.s32 s24, $0x0;
	s0 =	simm.s32 @!p1 $0x0;
	s2 =	simm.s32 $0x1  }
0xe4: {  	_ =	strace @p1 $0x9000004C;
	p1 =	sne.s32 s24, $0x0;
	s24 =	sadd.s32 $0x1, s24  }
0xe5: {  	s1 =	sand.u32 @!p0 $0x1, s20;
	s2 =	simm.s32 @!p1 $0x0;
	p1 =	sne.s32 s24, $0x80  }
.Ltmp9:
0xe6: {  	s1 =	sadd.s32 @!p0 $0x3, s1;
	_ =	strace @!p0 $0x8000004D;
	(pc) =	sbr.rel @p1 .LBB2_4-.Ltmp9, $4  }
0xe7: {  	_ =	swait.ge @!p0 [sflag:s1], $0x2000  }
0xe8: {  	[sflag:s1] =	ssyncset.done @!p0 $0x0  }
0xe9: {  	s22 =	sadd.s32 s0, s22;
	[sflag:s1] =	ssyncadd.s32 @!p0 $0xFFFFE000  }
0xea: {  	s23 =	sadd.s32 s0, s23;
	s20 =	sadd.s32 s2, s20;
	_ =	strace @!p0 $0x9000004D  }
0xeb: {  	s17 =	sadd.s32 $0x1, s17  }
0xec: {  	s0 =	sand.u32 $0x1, s20;
	p0 =	sne.s32 s17, s10  }
.Ltmp10:
0xed: {  	_ =	strace $0x8000004E;
	s0 =	sadd.s32 $0x3, s0;
	(pc) =	sbr.rel @p0 .LBB2_1-.Ltmp10, $4  }
0xee: {  	_ =	swait.ge [sflag:s0], $0x2000  }
0xef: {  	[sflag:s0] =	ssyncset.done $0x0  }
0xf0: {  	[sflag:s0] =	ssyncadd.s32 $0xFFFFE000  }
0xf1: {  	_ =	strace $0x9000004E  }
0xf2: {  	_ =	sfence.sel $0x180000  }
0xf3: {  	[bflag:$0x0] =	sbarrier.arrive $0xFFFF  }
0xf4: {  	_ =	strace $0x90000047  }
0xf5: {  	s0 =	stileid.u32;
	[bflag:$0x2] =	sbarrier.arrive $0xFFFF  }
0xf6: {  	p0 =	sne.s32 s0, $0x0;
	s0 =	rddreg [dreg:$0x5]  }
0xf7: {  	s0 =	sadd.s32 @!p0 $0x100000, s0  }
0xf8: {  	[sflag:s0] =	ssyncadd.tile.s32 @!p0 $0x1;
	_ =	shalt  }
.Lfunc_end2:
_tile_overlayer_lowered:
.L_overlay_start_2:
0xf9: {  	(tag) =	ssettag $0x2  }
0xfa: {  	s0 =	rddreg [dreg:$0x0];
	s2 =	stileid.u32  }
0xfb: {  	s1 =	rddreg [dreg:$0x1];
	p0 =	sne.s32 s2, $0x0  }
0xfc: {  	s3 =	rddreg [dreg:$0x2];
	[bflag:$0x3] =	sbarrier.arrive $0xFFFF;
	s2 =	simm.s32 @!p0 $0x1C01  }
0xfd: {  	[timem:s3], [sflag:s2] =	dma.local @!p0 [hbm:s0], s1  }
0xfe: {  	s0 =	simm.s32 @!p0 $0x1  }
0xff: {  	_ =	swait.ge @!p0 [sflag:s0], s1  }
0x100: {  	s1 =	ssub.s32 @!p0 $0x0, s1;
	[sflag:s0] =	ssyncset.done @!p0 $0x0  }
0x101: {  	[sflag:s0] =	ssyncadd.s32 @!p0 s1  }
0x102: {  	[bflag:$0x3] =	sbarrier.arrive $0xFFFF  }
0x103: {  	_ =	shalt  }

</sc_bundles>
